<compile_context>
chip_gen: v7x
topology: tpu7x:2x2x1
jax: 0.10.2.dev20260603
libtpu: 0.0.44.dev20260713+nightly
codegen_flags: <defaults>
</compile_context>

<pallas_src>
import functools

import jax
import jax.numpy as jnp
import numpy as np
from jax import lax
from jax.experimental import pallas as pl
from jax.experimental.pallas import tpu as pltpu
from jax.experimental.pallas import tpu_sc as plsc

BOHR = 0.52917721067
N = 10000
E = 640000
NPAD = 10240
NW = 32
EPW = E // NW
VECS = EPW // 16
TABVECS = NPAD // 16
GRP = 8
TGRP = 8

_LOGZ = np.zeros((96,), np.float32)
_LOGZ[1:] = np.log(np.arange(1, 96, dtype=np.float64)).astype(np.float32)


def _sc_kernel(species_hbm, src_hbm, dst_hbm, dist_hbm, sw_hbm, params_hbm,
               logz_hbm, out_hbm, spec_v, zp_v, zf_v, acc_v, src_v, dst_v,
               dist_v, sw_v, logz_v, params_v, tab_sem, edge_sem):
  nc = 2
  wid = lax.axis_index("s") * nc + lax.axis_index("c")
  base = wid * EPW

  c_par = pltpu.async_copy(params_hbm, params_v, tab_sem)
  c_logz = pltpu.async_copy(logz_hbm, logz_v, tab_sem)
  c_spec = pltpu.async_copy(species_hbm, spec_v.at[pl.ds(0, N)], tab_sem)
  c_src = pltpu.async_copy(src_hbm.at[pl.ds(base, EPW)],
                           src_v.at[pl.ds(0, EPW)], edge_sem)
  c_dst = pltpu.async_copy(dst_hbm.at[pl.ds(base, EPW)], dst_v, edge_sem)
  c_dist = pltpu.async_copy(dist_hbm.at[pl.ds(base, EPW)], dist_v, edge_sem)
  c_sw = pltpu.async_copy(sw_hbm.at[pl.ds(base, EPW)], sw_v, edge_sem)
  with jax.named_scope("stage_tab_wait"):
    c_par.wait()
    c_logz.wait()
    c_spec.wait()

  for j in range((NPAD - N) // 16):
    spec_v[pl.ds(N + 16 * j, 16)] = jnp.zeros((16,), jnp.int32)

  pv = params_v[...]
  dd = jnp.abs(pv[0])
  pp = jnp.abs(pv[1])
  lane = lax.iota(jnp.int32, 16)
  c0, c1, c2, c3 = pv[2], pv[3], pv[4], pv[5]
  cmax = jnp.maximum(jnp.maximum(c0, c1), jnp.maximum(c2, c3))
  cvec = jnp.where(lane == 0, c0,
                   jnp.where(lane == 1, c1,
                             jnp.where(lane == 2, c2, c3))) - cmax
  evec = jnp.where(lane < 4, jnp.exp(cvec), 0.0)
  esum = evec[0] + evec[1] + evec[2] + evec[3]
  halfv = jnp.full((16,), 0.5 * BOHR, jnp.float32) / jnp.full(
      (16,), esum, jnp.float32)
  csvec = evec * halfv
  cs0, cs1, cs2, cs3 = csvec[0], csvec[1], csvec[2], csvec[3]
  na0 = -jnp.abs(pv[6])
  na1 = -jnp.abs(pv[7])
  na2 = -jnp.abs(pv[8])
  na3 = -jnp.abs(pv[9])

  inv_db = jnp.full((16,), 1.0, jnp.float32) / jnp.full(
      (16,), dd * jnp.float32(BOHR), jnp.float32)

  def table_body(i, _):
    offs = [i * (16 * TGRP) + 16 * g for g in range(TGRP)]
    sp = [spec_v[pl.ds(o, 16)] for o in offs]
    lz = [plsc.load_gather(logz_v, [s]) for s in sp]
    zp = [jnp.exp(l * pp) * inv_db for l in lz]
    ok = [s > 0 for s in sp]
    for g in range(TGRP):
      zp_v[pl.ds(offs[g], 16)] = jnp.where(ok[g], zp[g], 0.0)
      zf_v[pl.ds(offs[g], 16)] = jnp.where(ok[g], sp[g].astype(jnp.float32),
                                           0.0)
      acc_v[pl.ds(offs[g], 16)] = jnp.zeros((16,), jnp.float32)
    return 0

  with jax.named_scope("table_build"):
    lax.fori_loop(0, TABVECS // TGRP, table_body, 0)

  with jax.named_scope("stage_edge_wait"):
    c_src.wait()
    c_dst.wait()
    c_dist.wait()
    c_sw.wait()
  src_v[pl.ds(EPW, 16)] = jnp.zeros((16,), jnp.int32)

  lane15 = lane == 15
  def do_groups(offs):
    n = len(offs)
    s = [src_v[pl.ds(o, 16)] for o in offs]
    snx = [src_v[pl.ds(o + 1, 16)] for o in offs]
    t = [dst_v[pl.ds(o, 16)] for o in offs]
    dv = [dist_v[pl.ds(o, 16)] for o in offs]
    wv = [sw_v[pl.ds(o, 16)] for o in offs]
    zps = [plsc.load_gather(zp_v, [s[g]]) for g in range(n)]
    zpt = [plsc.load_gather(zp_v, [t[g]]) for g in range(n)]
    zs = [plsc.load_gather(zf_v, [s[g]]) for g in range(n)]
    zt = [plsc.load_gather(zf_v, [t[g]]) for g in range(n)]
    x = [dv[g] * (zps[g] + zpt[g]) for g in range(n)]
    e0 = [jnp.exp(na0 * x[g]) for g in range(n)]
    e1 = [jnp.exp(na1 * x[g]) for g in range(n)]
    e2 = [jnp.exp(na2 * x[g]) for g in range(n)]
    e3 = [jnp.exp(na3 * x[g]) for g in range(n)]
    phi = [(cs0 * e0[g] + cs1 * e1[g]) + (cs2 * e2[g] + cs3 * e3[g])
           for g in range(n)]
    erep = [zs[g] * zt[g] * phi[g] * wv[g] / dv[g] for g in range(n)]
    cum = [plsc.cumsum(erep[g]) for g in range(n)]
    blast = [(s[g] != snx[g]) | lane15 for g in range(n)]
    bsub = [(s[g] != snx[g]) & (~lane15) for g in range(n)]
    for g in range(n):
      plsc.addupdate_scatter(acc_v, [s[g]], cum[g], mask=blast[g])
      plsc.addupdate_scatter(acc_v, [snx[g]], -cum[g], mask=bsub[g])

  def edge_body(i, _):
    off = i * (16 * GRP)
    do_groups([off + 16 * g for g in range(GRP)])
    return 0

  with jax.named_scope("edge_loop"):
    lax.fori_loop(0, VECS // GRP, edge_body, 0)
    rem = VECS % GRP
    if rem:
      do_groups([16 * (VECS - rem + g) for g in range(rem)])

  with jax.named_scope("writeout"):
    pltpu.sync_copy(acc_v, out_hbm.at[wid])


def _reduce_kernel(p_ref, o_ref):
  o_ref[...] = jnp.sum(p_ref[...], axis=0, keepdims=True)[:, :N]


@jax.jit
def kernel(species, edge_src, edge_dst, distances, switch, d, p, cs_raw,
           alphas):
  params = jnp.concatenate([
      jnp.reshape(d, (1,)).astype(jnp.float32),
      jnp.reshape(p, (1,)).astype(jnp.float32),
      cs_raw.astype(jnp.float32),
      alphas.astype(jnp.float32),
      jnp.zeros((6,), jnp.float32),
  ])
  logz = jnp.asarray(_LOGZ)

  mesh = plsc.VectorSubcoreMesh(
      core_axis_name="c", subcore_axis_name="s", num_cores=2, num_subcores=16)
  sc = pl.kernel(
      _sc_kernel,
      out_type=jax.ShapeDtypeStruct((NW, NPAD), jnp.float32),
      mesh=mesh,
      compiler_params=pltpu.CompilerParams(needs_layout_passes=False),
      scratch_types=[
          pltpu.VMEM((NPAD,), jnp.int32),
          pltpu.VMEM((NPAD,), jnp.float32),
          pltpu.VMEM((NPAD,), jnp.float32),
          pltpu.VMEM((NPAD,), jnp.float32),
          pltpu.VMEM((EPW + 16,), jnp.int32),
          pltpu.VMEM((EPW,), jnp.int32),
          pltpu.VMEM((EPW,), jnp.float32),
          pltpu.VMEM((EPW,), jnp.float32),
          pltpu.VMEM((96,), jnp.float32),
          pltpu.VMEM((16,), jnp.float32),
          pltpu.SemaphoreType.DMA,
          pltpu.SemaphoreType.DMA,
      ],
  )
  partials = sc(species, edge_src, edge_dst, distances, switch, params, logz)

  out = pl.pallas_call(
      _reduce_kernel,
      out_shape=jax.ShapeDtypeStruct((1, N), jnp.float32),
  )(partials)
  return out.reshape(N)

# --- scband reference (transcript-rebuilt; emitter-appended) ---
"""Pipeline reference for scband-repulsion-zbl-11364483465759 (READ-ONLY COPY).

The authoritative reference and input builder live on the scoring server;
editing this copy changes nothing except your own understanding.
"""

import jax, jax.numpy as jnp
import numpy as np

BOHR = 0.52917721067


def setup_inputs(seed: int = 0) -> dict:
    key = jax.random.key(seed)
    ks = jax.random.split(key, 6)
    N, E = 10000, 640000
    # species: atomic numbers in [1, 95) so Z > 0 everywhere (avoids 0**p corner)
    species = jax.random.randint(ks[0], (N,), 1, 95, dtype=jnp.int32)
    # edge_src sorted (CSR-style neighbor list) for segment_sum
    edge_src = jnp.sort(jax.random.randint(ks[1], (E,), 0, N, dtype=jnp.int32))
    edge_dst = jax.random.randint(ks[2], (E,), 0, N, dtype=jnp.int32)
    # interatomic distances in Angstrom, bounded away from zero: [0.5, 5.0)
    distances = jax.random.uniform(ks[3], (E,), dtype=jnp.float32) * 4.5 + 0.5
    # cutoff switching function values in [0, 1)
    switch = jax.random.uniform(ks[4], (E,), dtype=jnp.float32)
    # trainable ZBL parameters (flax self.param equivalents)
    d = jnp.asarray(0.4685 / BOHR, dtype=jnp.float32)
    p = jnp.asarray(0.23, dtype=jnp.float32)
    cs_raw = jnp.asarray([0.113, 1.1445, 0.5459, -1.7514], dtype=jnp.float32)
    alphas = jnp.asarray([3.1998, 0.94229, 0.4029, 0.20162], dtype=jnp.float32)
    return {
        "species": species,
        "edge_src": edge_src,
        "edge_dst": edge_dst,
        "distances": distances,
        "switch": switch,
        "d": d,
        "p": p,
        "cs_raw": cs_raw,
        "alphas": alphas,
    }


def reference(species, edge_src, edge_dst, distances, switch, d, p, cs_raw, alphas):
    # rijs in Bohr
    rijs = distances / BOHR
    dd = jnp.abs(d)
    pp = jnp.abs(p)
    cs = 0.5 * jax.nn.softmax(cs_raw)
    al = jnp.abs(alphas)
    Z = jnp.where(species > 0, species.astype(rijs.dtype), 0.0)
    Zij = Z[edge_src] * Z[edge_dst]
    Zp = Z ** pp / dd
    x = rijs * (Zp[edge_src] + Zp[edge_dst])
    phi = (cs[None, :] * jnp.exp(-al[None, :] * x[:, None])).sum(axis=-1)
    ereppair = Zij * phi / rijs * switch
    erep_atomic = jax.ops.segment_sum(ereppair, edge_src, num_segments=species.shape[0])
    energy_unit = 1.0  # au.get_multiplier('Ha') == 1.0
    return erep_atomic * energy_unit

if __name__ == "__main__":
    import jax
    _d = setup_inputs()
    print(jax.jit(kernel)(*tuple(_d.values())))

</pallas_src>

<mosaic_0001>
#map = affine_map<(d0, d1) -> (0)>
#map1 = affine_map<(d0, d1) -> (0, 0)>
module attributes {stable_mosaic.version = 14 : i64} {
  func.func @_sc_kernel(%arg0: i32, %arg1: i32, %arg2: memref<10000xi32, #tpu.memory_space<hbm>>, %arg3: memref<640000xi32, #tpu.memory_space<hbm>>, %arg4: memref<640000xi32, #tpu.memory_space<hbm>>, %arg5: memref<640000xf32, #tpu.memory_space<hbm>>, %arg6: memref<640000xf32, #tpu.memory_space<hbm>>, %arg7: memref<16xf32, #tpu.memory_space<hbm>>, %arg8: memref<96xf32, #tpu.memory_space<hbm>>, %arg9: memref<32x10240xf32, #tpu.memory_space<hbm>>, %arg10: memref<10240xi32, #tpu.memory_space<vmem>>, %arg11: memref<10240xf32, #tpu.memory_space<vmem>>, %arg12: memref<10240xf32, #tpu.memory_space<vmem>>, %arg13: memref<10240xf32, #tpu.memory_space<vmem>>, %arg14: memref<20016xi32, #tpu.memory_space<vmem>>, %arg15: memref<20000xi32, #tpu.memory_space<vmem>>, %arg16: memref<20000xf32, #tpu.memory_space<vmem>>, %arg17: memref<20000xf32, #tpu.memory_space<vmem>>, %arg18: memref<96xf32, #tpu.memory_space<vmem>>, %arg19: memref<16xf32, #tpu.memory_space<vmem>>, %arg20: memref<!tpu.dma_semaphore, #tpu.memory_space<semaphore_mem>>, %arg21: memref<!tpu.dma_semaphore, #tpu.memory_space<semaphore_mem>>) attributes {dimension_semantics = [#tpu.dimension_semantics<core_parallel>, #tpu.dimension_semantics<subcore_parallel>], iteration_bounds = array<i64: 2, 16>, scalar_prefetch = 0 : i64, scratch_operands = 12 : i64, tpu.core_type = #tpu.core_type<sc_vector_subcore>, window_params = [{transform_indices = #map}, {transform_indices = #map}, {transform_indices = #map}, {transform_indices = #map}, {transform_indices = #map}, {transform_indices = #map}, {transform_indices = #map}, {transform_indices = #map1}]} {
    %mul3A = arith.constant 2 : i32
    %mul3A_0 = arith.muli %arg1, %mul3A : i32
    %add3A = arith.addi %mul3A_0, %arg0 : i32
    %mul3A_1 = arith.constant 20000 : i32
    %mul3A_2 = arith.muli %add3A, %mul3A_1 : i32
    tpu.enqueue_dma source(%arg7 : memref<16xf32, #tpu.memory_space<hbm>>) target(%arg19 : memref<16xf32, #tpu.memory_space<vmem>>) target_semaphore(%arg20 : memref<!tpu.dma_semaphore, #tpu.memory_space<semaphore_mem>>)
    tpu.enqueue_dma source(%arg8 : memref<96xf32, #tpu.memory_space<hbm>>) target(%arg18 : memref<96xf32, #tpu.memory_space<vmem>>) target_semaphore(%arg20 : memref<!tpu.dma_semaphore, #tpu.memory_space<semaphore_mem>>)
    %dma_start3A = arith.constant 0 : i32
    %dma_start3A_3 = tpu.memref_slice %arg10[%dma_start3A] : memref<10240xi32, #tpu.memory_space<vmem>> -> memref<10000xi32, #tpu.memory_space<vmem>>
    %dma_start3A_4 = arith.constant 0 : i32
    %dma_start3A_5 = tpu.memref_slice %arg10[%dma_start3A_4] : memref<10240xi32, #tpu.memory_space<vmem>> -> memref<10000xi32, #tpu.memory_space<vmem>>
    tpu.enqueue_dma source(%arg2 : memref<10000xi32, #tpu.memory_space<hbm>>) target(%dma_start3A_5 : memref<10000xi32, #tpu.memory_space<vmem>>) target_semaphore(%arg20 : memref<!tpu.dma_semaphore, #tpu.memory_space<semaphore_mem>>)
    %dma_start3A_6 = arith.constant 0 : i32
    %dma_start3A_7 = tpu.memref_slice %arg14[%dma_start3A_6] : memref<20016xi32, #tpu.memory_space<vmem>> -> memref<20000xi32, #tpu.memory_space<vmem>>
    %dma_start3A_8 = tpu.memref_slice %arg3[%mul3A_2] : memref<640000xi32, #tpu.memory_space<hbm>> -> memref<20000xi32, #tpu.memory_space<hbm>>
    %dma_start3A_9 = arith.constant 0 : i32
    %dma_start3A_10 = tpu.memref_slice %arg14[%dma_start3A_9] : memref<20016xi32, #tpu.memory_space<vmem>> -> memref<20000xi32, #tpu.memory_space<vmem>>
    %dma_start3A_11 = tpu.memref_slice %arg3[%mul3A_2] : memref<640000xi32, #tpu.memory_space<hbm>> -> memref<20000xi32, #tpu.memory_space<hbm>>
    tpu.enqueue_dma source(%dma_start3A_11 : memref<20000xi32, #tpu.memory_space<hbm>>) target(%dma_start3A_10 : memref<20000xi32, #tpu.memory_space<vmem>>) target_semaphore(%arg21 : memref<!tpu.dma_semaphore, #tpu.memory_space<semaphore_mem>>)
    %dma_start3A_12 = tpu.memref_slice %arg4[%mul3A_2] : memref<640000xi32, #tpu.memory_space<hbm>> -> memref<20000xi32, #tpu.memory_space<hbm>>
    %dma_start3A_13 = tpu.memref_slice %arg4[%mul3A_2] : memref<640000xi32, #tpu.memory_space<hbm>> -> memref<20000xi32, #tpu.memory_space<hbm>>
    tpu.enqueue_dma source(%dma_start3A_13 : memref<20000xi32, #tpu.memory_space<hbm>>) target(%arg15 : memref<20000xi32, #tpu.memory_space<vmem>>) target_semaphore(%arg21 : memref<!tpu.dma_semaphore, #tpu.memory_space<semaphore_mem>>)
    %dma_start3A_14 = tpu.memref_slice %arg5[%mul3A_2] : memref<640000xf32, #tpu.memory_space<hbm>> -> memref<20000xf32, #tpu.memory_space<hbm>>
    %dma_start3A_15 = tpu.memref_slice %arg5[%mul3A_2] : memref<640000xf32, #tpu.memory_space<hbm>> -> memref<20000xf32, #tpu.memory_space<hbm>>
    tpu.enqueue_dma source(%dma_start3A_15 : memref<20000xf32, #tpu.memory_space<hbm>>) target(%arg16 : memref<20000xf32, #tpu.memory_space<vmem>>) target_semaphore(%arg21 : memref<!tpu.dma_semaphore, #tpu.memory_space<semaphore_mem>>)
    %dma_start3A_16 = tpu.memref_slice %arg6[%mul3A_2] : memref<640000xf32, #tpu.memory_space<hbm>> -> memref<20000xf32, #tpu.memory_space<hbm>>
    %dma_start3A_17 = tpu.memref_slice %arg6[%mul3A_2] : memref<640000xf32, #tpu.memory_space<hbm>> -> memref<20000xf32, #tpu.memory_space<hbm>>
    tpu.enqueue_dma source(%dma_start3A_17 : memref<20000xf32, #tpu.memory_space<hbm>>) target(%arg17 : memref<20000xf32, #tpu.memory_space<vmem>>) target_semaphore(%arg21 : memref<!tpu.dma_semaphore, #tpu.memory_space<semaphore_mem>>)
    "tpu.trace_start"() <{level = 10 : i32, message = "stage_tab_wait"}> : () -> ()
    tpu.wait_dma2 semaphore(%arg20 : memref<!tpu.dma_semaphore, #tpu.memory_space<semaphore_mem>>) src(%arg7 : memref<16xf32, #tpu.memory_space<hbm>>) dst(%arg19 : memref<16xf32, #tpu.memory_space<vmem>>)
    tpu.wait_dma2 semaphore(%arg20 : memref<!tpu.dma_semaphore, #tpu.memory_space<semaphore_mem>>) src(%arg8 : memref<96xf32, #tpu.memory_space<hbm>>) dst(%arg18 : memref<96xf32, #tpu.memory_space<vmem>>)
    %dma_wait3A = arith.constant 0 : i32
    %dma_wait3A_18 = tpu.memref_slice %arg10[%dma_wait3A] : memref<10240xi32, #tpu.memory_space<vmem>> -> memref<10000xi32, #tpu.memory_space<vmem>>
    %dma_wait3A_19 = arith.constant 0 : i32
    %dma_wait3A_20 = tpu.memref_slice %arg10[%dma_wait3A_19] : memref<10240xi32, #tpu.memory_space<vmem>> -> memref<10000xi32, #tpu.memory_space<vmem>>
    tpu.wait_dma2 semaphore(%arg20 : memref<!tpu.dma_semaphore, #tpu.memory_space<semaphore_mem>>) src(%arg2 : memref<10000xi32, #tpu.memory_space<hbm>>) dst(%dma_wait3A_20 : memref<10000xi32, #tpu.memory_space<vmem>>)
    %broadcast_in_dim3A = arith.constant 0 : i32
    "tpu.trace_stop"() : () -> ()
    %broadcast_in_dim3A_21 = vector.broadcast %broadcast_in_dim3A : i32 to vector<16xi32>
    %swap3A = arith.constant 10000 : index
    %swap3A_22 = tpu.vector_load %arg10[%swap3A] {strides = array<i32>} : memref<10240xi32, #tpu.memory_space<vmem>>, vector<16xi32>,
    tpu.vector_store %arg10[%swap3A], %broadcast_in_dim3A_21 {strides = array<i32>} : memref<10240xi32, #tpu.memory_space<vmem>>, vector<16xi32>,
    %broadcast_in_dim3A_23 = arith.constant 0 : i32
    %broadcast_in_dim3A_24 = vector.broadcast %broadcast_in_dim3A_23 : i32 to vector<16xi32>
    %swap3A_25 = arith.constant 10016 : index
    %swap3A_26 = tpu.vector_load %arg10[%swap3A_25] {strides = array<i32>} : memref<10240xi32, #tpu.memory_space<vmem>>, vector<16xi32>,
    tpu.vector_store %arg10[%swap3A_25], %broadcast_in_dim3A_24 {strides = array<i32>} : memref<10240xi32, #tpu.memory_space<vmem>>, vector<16xi32>,
    %broadcast_in_dim3A_27 = arith.constant 0 : i32
    %broadcast_in_dim3A_28 = vector.broadcast %broadcast_in_dim3A_27 : i32 to vector<16xi32>
    %swap3A_29 = arith.constant 10032 : index
    %swap3A_30 = tpu.vector_load %arg10[%swap3A_29] {strides = array<i32>} : memref<10240xi32, #tpu.memory_space<vmem>>, vector<16xi32>,
    tpu.vector_store %arg10[%swap3A_29], %broadcast_in_dim3A_28 {strides = array<i32>} : memref<10240xi32, #tpu.memory_space<vmem>>, vector<16xi32>,
    %broadcast_in_dim3A_31 = arith.constant 0 : i32
    %broadcast_in_dim3A_32 = vector.broadcast %broadcast_in_dim3A_31 : i32 to vector<16xi32>
    %swap3A_33 = arith.constant 10048 : index
    %swap3A_34 = tpu.vector_load %arg10[%swap3A_33] {strides = array<i32>} : memref<10240xi32, #tpu.memory_space<vmem>>, vector<16xi32>,
    tpu.vector_store %arg10[%swap3A_33], %broadcast_in_dim3A_32 {strides = array<i32>} : memref<10240xi32, #tpu.memory_space<vmem>>, vector<16xi32>,
    %broadcast_in_dim3A_35 = arith.constant 0 : i32
    %broadcast_in_dim3A_36 = vector.broadcast %broadcast_in_dim3A_35 : i32 to vector<16xi32>
    %swap3A_37 = arith.constant 10064 : index
    %swap3A_38 = tpu.vector_load %arg10[%swap3A_37] {strides = array<i32>} : memref<10240xi32, #tpu.memory_space<vmem>>, vector<16xi32>,
    tpu.vector_store %arg10[%swap3A_37], %broadcast_in_dim3A_36 {strides = array<i32>} : memref<10240xi32, #tpu.memory_space<vmem>>, vector<16xi32>,
    %broadcast_in_dim3A_39 = arith.constant 0 : i32
    %broadcast_in_dim3A_40 = vector.broadcast %broadcast_in_dim3A_39 : i32 to vector<16xi32>
    %swap3A_41 = arith.constant 10080 : index
    %swap3A_42 = tpu.vector_load %arg10[%swap3A_41] {strides = array<i32>} : memref<10240xi32, #tpu.memory_space<vmem>>, vector<16xi32>,
    tpu.vector_store %arg10[%swap3A_41], %broadcast_in_dim3A_40 {strides = array<i32>} : memref<10240xi32, #tpu.memory_space<vmem>>, vector<16xi32>,
    %broadcast_in_dim3A_43 = arith.constant 0 : i32
    %broadcast_in_dim3A_44 = vector.broadcast %broadcast_in_dim3A_43 : i32 to vector<16xi32>
    %swap3A_45 = arith.constant 10096 : index
    %swap3A_46 = tpu.vector_load %arg10[%swap3A_45] {strides = array<i32>} : memref<10240xi32, #tpu.memory_space<vmem>>, vector<16xi32>,
    tpu.vector_store %arg10[%swap3A_45], %broadcast_in_dim3A_44 {strides = array<i32>} : memref<10240xi32, #tpu.memory_space<vmem>>, vector<16xi32>,
    %broadcast_in_dim3A_47 = arith.constant 0 : i32
    %broadcast_in_dim3A_48 = vector.broadcast %broadcast_in_dim3A_47 : i32 to vector<16xi32>
    %swap3A_49 = arith.constant 10112 : index
    %swap3A_50 = tpu.vector_load %arg10[%swap3A_49] {strides = array<i32>} : memref<10240xi32, #tpu.memory_space<vmem>>, vector<16xi32>,
    tpu.vector_store %arg10[%swap3A_49], %broadcast_in_dim3A_48 {strides = array<i32>} : memref<10240xi32, #tpu.memory_space<vmem>>, vector<16xi32>,
    %broadcast_in_dim3A_51 = arith.constant 0 : i32
    %broadcast_in_dim3A_52 = vector.broadcast %broadcast_in_dim3A_51 : i32 to vector<16xi32>
    %swap3A_53 = arith.constant 10128 : index
    %swap3A_54 = tpu.vector_load %arg10[%swap3A_53] {strides = array<i32>} : memref<10240xi32, #tpu.memory_space<vmem>>, vector<16xi32>,
    tpu.vector_store %arg10[%swap3A_53], %broadcast_in_dim3A_52 {strides = array<i32>} : memref<10240xi32, #tpu.memory_space<vmem>>, vector<16xi32>,
    %broadcast_in_dim3A_55 = arith.constant 0 : i32
    %broadcast_in_dim3A_56 = vector.broadcast %broadcast_in_dim3A_55 : i32 to vector<16xi32>
    %swap3A_57 = arith.constant 10144 : index
    %swap3A_58 = tpu.vector_load %arg10[%swap3A_57] {strides = array<i32>} : memref<10240xi32, #tpu.memory_space<vmem>>, vector<16xi32>,
    tpu.vector_store %arg10[%swap3A_57], %broadcast_in_dim3A_56 {strides = array<i32>} : memref<10240xi32, #tpu.memory_space<vmem>>, vector<16xi32>,
    %broadcast_in_dim3A_59 = arith.constant 0 : i32
    %broadcast_in_dim3A_60 = vector.broadcast %broadcast_in_dim3A_59 : i32 to vector<16xi32>
    %swap3A_61 = arith.constant 10160 : index
    %swap3A_62 = tpu.vector_load %arg10[%swap3A_61] {strides = array<i32>} : memref<10240xi32, #tpu.memory_space<vmem>>, vector<16xi32>,
    tpu.vector_store %arg10[%swap3A_61], %broadcast_in_dim3A_60 {strides = array<i32>} : memref<10240xi32, #tpu.memory_space<vmem>>, vector<16xi32>,
    %broadcast_in_dim3A_63 = arith.constant 0 : i32
    %broadcast_in_dim3A_64 = vector.broadcast %broadcast_in_dim3A_63 : i32 to vector<16xi32>
    %swap3A_65 = arith.constant 10176 : index
    %swap3A_66 = tpu.vector_load %arg10[%swap3A_65] {strides = array<i32>} : memref<10240xi32, #tpu.memory_space<vmem>>, vector<16xi32>,
    tpu.vector_store %arg10[%swap3A_65], %broadcast_in_dim3A_64 {strides = array<i32>} : memref<10240xi32, #tpu.memory_space<vmem>>, vector<16xi32>,
    %broadcast_in_dim3A_67 = arith.constant 0 : i32
    %broadcast_in_dim3A_68 = vector.broadcast %broadcast_in_dim3A_67 : i32 to vector<16xi32>
    %swap3A_69 = arith.constant 10192 : index
    %swap3A_70 = tpu.vector_load %arg10[%swap3A_69] {strides = array<i32>} : memref<10240xi32, #tpu.memory_space<vmem>>, vector<16xi32>,
    tpu.vector_store %arg10[%swap3A_69], %broadcast_in_dim3A_68 {strides = array<i32>} : memref<10240xi32, #tpu.memory_space<vmem>>, vector<16xi32>,
    %broadcast_in_dim3A_71 = arith.constant 0 : i32
    %broadcast_in_dim3A_72 = vector.broadcast %broadcast_in_dim3A_71 : i32 to vector<16xi32>
    %swap3A_73 = arith.constant 10208 : index
    %swap3A_74 = tpu.vector_load %arg10[%swap3A_73] {strides = array<i32>} : memref<10240xi32, #tpu.memory_space<vmem>>, vector<16xi32>,
    tpu.vector_store %arg10[%swap3A_73], %broadcast_in_dim3A_72 {strides = array<i32>} : memref<10240xi32, #tpu.memory_space<vmem>>, vector<16xi32>,
    %broadcast_in_dim3A_75 = arith.constant 0 : i32
    %broadcast_in_dim3A_76 = vector.broadcast %broadcast_in_dim3A_75 : i32 to vector<16xi32>
    %swap3A_77 = arith.constant 10224 : index
    %swap3A_78 = tpu.vector_load %arg10[%swap3A_77] {strides = array<i32>} : memref<10240xi32, #tpu.memory_space<vmem>>, vector<16xi32>,
    tpu.vector_store %arg10[%swap3A_77], %broadcast_in_dim3A_76 {strides = array<i32>} : memref<10240xi32, #tpu.memory_space<vmem>>, vector<16xi32>,
    %get3A = arith.constant 0 : index
    %get3A_79 = tpu.vector_load %arg19[%get3A] {strides = array<i32>} : memref<16xf32, #tpu.memory_space<vmem>>, vector<16xf32>,
    %slice3A = vector.extract_strided_slice %get3A_79 {offsets = [0], sizes = [1], strides = [1]} : vector<16xf32> to vector<1xf32>
    %squeeze3A = vector.extract %slice3A[0] : f32 from vector<1xf32>
    %abs3A = math.absf %squeeze3A : f32
    %slice3A_80 = vector.extract_strided_slice %get3A_79 {offsets = [1], sizes = [1], strides = [1]} : vector<16xf32> to vector<1xf32>
    %squeeze3A_81 = vector.extract %slice3A_80[0] : f32 from vector<1xf32>
    %abs3A_82 = math.absf %squeeze3A_81 : f32
    %iota3A = tpu.iota {dimensions = array<i32: 0>} : vector<16xi32>
    %slice3A_83 = vector.extract_strided_slice %get3A_79 {offsets = [2], sizes = [1], strides = [1]} : vector<16xf32> to vector<1xf32>
    %squeeze3A_84 = vector.extract %slice3A_83[0] : f32 from vector<1xf32>
    %slice3A_85 = vector.extract_strided_slice %get3A_79 {offsets = [3], sizes = [1], strides = [1]} : vector<16xf32> to vector<1xf32>
    %squeeze3A_86 = vector.extract %slice3A_85[0] : f32 from vector<1xf32>
    %slice3A_87 = vector.extract_strided_slice %get3A_79 {offsets = [4], sizes = [1], strides = [1]} : vector<16xf32> to vector<1xf32>
    %squeeze3A_88 = vector.extract %slice3A_87[0] : f32 from vector<1xf32>
    %slice3A_89 = vector.extract_strided_slice %get3A_79 {offsets = [5], sizes = [1], strides = [1]} : vector<16xf32> to vector<1xf32>
    %squeeze3A_90 = vector.extract %slice3A_89[0] : f32 from vector<1xf32>
    %max3A = arith.maximumf %squeeze3A_84, %squeeze3A_86 : f32
    %max3A_91 = arith.maximumf %squeeze3A_88, %squeeze3A_90 : f32
    %max3A_92 = arith.maximumf %max3A, %max3A_91 : f32
    %eq3A = arith.constant 0 : i32
    %eq3A_93 = vector.broadcast %eq3A : i32 to vector<16xi32>
    %eq3A_94 = arith.cmpi eq, %iota3A, %eq3A_93 : vector<16xi32>
    %eq3A_95 = arith.constant 1 : i32
    %eq3A_96 = vector.broadcast %eq3A_95 : i32 to vector<16xi32>
    %eq3A_97 = arith.cmpi eq, %iota3A, %eq3A_96 : vector<16xi32>
    %eq3A_98 = arith.constant 2 : i32
    %eq3A_99 = vector.broadcast %eq3A_98 : i32 to vector<16xi32>
    %eq3A_100 = arith.cmpi eq, %iota3A, %eq3A_99 : vector<16xi32>
    %broadcast_in_dim3A_101 = vector.broadcast %squeeze3A_88 : f32 to vector<16xf32>
    %broadcast_in_dim3A_102 = vector.broadcast %squeeze3A_90 : f32 to vector<16xf32>
    %select_n3A = arith.select %eq3A_100, %broadcast_in_dim3A_101, %broadcast_in_dim3A_102 : vector<16xi1>, vector<16xf32>
    %broadcast_in_dim3A_103 = vector.broadcast %squeeze3A_86 : f32 to vector<16xf32>
    %select_n3A_104 = arith.select %eq3A_97, %broadcast_in_dim3A_103, %select_n3A : vector<16xi1>, vector<16xf32>
    %broadcast_in_dim3A_105 = vector.broadcast %squeeze3A_84 : f32 to vector<16xf32>
    %select_n3A_106 = arith.select %eq3A_94, %broadcast_in_dim3A_105, %select_n3A_104 : vector<16xi1>, vector<16xf32>
    %sub3A = vector.broadcast %max3A_92 : f32 to vector<16xf32>
    %sub3A_107 = arith.subf %select_n3A_106, %sub3A : vector<16xf32>
    %lt3A = arith.constant 4 : i32
    %lt3A_108 = vector.broadcast %lt3A : i32 to vector<16xi32>
    %lt3A_109 = arith.cmpi slt, %iota3A, %lt3A_108 : vector<16xi32>
    %exp3A = math.exp %sub3A_107 : vector<16xf32>
    %jit3A = arith.constant 0.000000e+00 : f32
    %broadcast_in_dim3A_110 = vector.broadcast %jit3A : f32 to vector<16xf32>
    %select_n3A_111 = arith.select %lt3A_109, %exp3A, %broadcast_in_dim3A_110 : vector<16xi1>, vector<16xf32>
    %slice3A_112 = vector.extract_strided_slice %select_n3A_111 {offsets = [0], sizes = [1], strides = [1]} : vector<16xf32> to vector<1xf32>
    %squeeze3A_113 = vector.extract %slice3A_112[0] : f32 from vector<1xf32>
    %slice3A_114 = vector.extract_strided_slice %select_n3A_111 {offsets = [1], sizes = [1], strides = [1]} : vector<16xf32> to vector<1xf32>
    %squeeze3A_115 = vector.extract %slice3A_114[0] : f32 from vector<1xf32>
    %add3A_116 = arith.addf %squeeze3A_113, %squeeze3A_115 : f32
    %slice3A_117 = vector.extract_strided_slice %select_n3A_111 {offsets = [2], sizes = [1], strides = [1]} : vector<16xf32> to vector<1xf32>
    %squeeze3A_118 = vector.extract %slice3A_117[0] : f32 from vector<1xf32>
    %add3A_119 = arith.addf %add3A_116, %squeeze3A_118 : f32
    %slice3A_120 = vector.extract_strided_slice %select_n3A_111 {offsets = [3], sizes = [1], strides = [1]} : vector<16xf32> to vector<1xf32>
    %squeeze3A_121 = vector.extract %slice3A_120[0] : f32 from vector<1xf32>
    %add3A_122 = arith.addf %add3A_119, %squeeze3A_121 : f32
    %broadcast_in_dim3A_123 = arith.constant 0.264588594 : f32
    %broadcast_in_dim3A_124 = vector.broadcast %broadcast_in_dim3A_123 : f32 to vector<16xf32>
    %broadcast_in_dim3A_125 = vector.broadcast %add3A_122 : f32 to vector<16xf32>
    %div3A = arith.divf %broadcast_in_dim3A_124, %broadcast_in_dim3A_125 : vector<16xf32>
    %mul3A_126 = arith.mulf %select_n3A_111, %div3A : vector<16xf32>
    %slice3A_127 = vector.extract_strided_slice %mul3A_126 {offsets = [0], sizes = [1], strides = [1]} : vector<16xf32> to vector<1xf32>
    %squeeze3A_128 = vector.extract %slice3A_127[0] : f32 from vector<1xf32>
    %slice3A_129 = vector.extract_strided_slice %mul3A_126 {offsets = [1], sizes = [1], strides = [1]} : vector<16xf32> to vector<1xf32>
    %squeeze3A_130 = vector.extract %slice3A_129[0] : f32 from vector<1xf32>
    %slice3A_131 = vector.extract_strided_slice %mul3A_126 {offsets = [2], sizes = [1], strides = [1]} : vector<16xf32> to vector<1xf32>
    %squeeze3A_132 = vector.extract %slice3A_131[0] : f32 from vector<1xf32>
    %slice3A_133 = vector.extract_strided_slice %mul3A_126 {offsets = [3], sizes = [1], strides = [1]} : vector<16xf32> to vector<1xf32>
    %squeeze3A_134 = vector.extract %slice3A_133[0] : f32 from vector<1xf32>
    %slice3A_135 = vector.extract_strided_slice %get3A_79 {offsets = [6], sizes = [1], strides = [1]} : vector<16xf32> to vector<1xf32>
    %squeeze3A_136 = vector.extract %slice3A_135[0] : f32 from vector<1xf32>
    %abs3A_137 = math.absf %squeeze3A_136 : f32
    %neg3A = arith.constant 0.000000e+00 : f32
    %neg3A_138 = arith.subf %neg3A, %abs3A_137 : f32
    %slice3A_139 = vector.extract_strided_slice %get3A_79 {offsets = [7], sizes = [1], strides = [1]} : vector<16xf32> to vector<1xf32>
    %squeeze3A_140 = vector.extract %slice3A_139[0] : f32 from vector<1xf32>
    %abs3A_141 = math.absf %squeeze3A_140 : f32
    %neg3A_142 = arith.constant 0.000000e+00 : f32
    %neg3A_143 = arith.subf %neg3A_142, %abs3A_141 : f32
    %slice3A_144 = vector.extract_strided_slice %get3A_79 {offsets = [8], sizes = [1], strides = [1]} : vector<16xf32> to vector<1xf32>
    %squeeze3A_145 = vector.extract %slice3A_144[0] : f32 from vector<1xf32>
    %abs3A_146 = math.absf %squeeze3A_145 : f32
    %neg3A_147 = arith.constant 0.000000e+00 : f32
    %neg3A_148 = arith.subf %neg3A_147, %abs3A_146 : f32
    %slice3A_149 = vector.extract_strided_slice %get3A_79 {offsets = [9], sizes = [1], strides = [1]} : vector<16xf32> to vector<1xf32>
    %squeeze3A_150 = vector.extract %slice3A_149[0] : f32 from vector<1xf32>
    %abs3A_151 = math.absf %squeeze3A_150 : f32
    %neg3A_152 = arith.constant 0.000000e+00 : f32
    %neg3A_153 = arith.subf %neg3A_152, %abs3A_151 : f32
    %broadcast_in_dim3A_154 = arith.constant 1.000000e+00 : f32
    %broadcast_in_dim3A_155 = vector.broadcast %broadcast_in_dim3A_154 : f32 to vector<16xf32>
    %mul3A_156 = arith.constant 0.529177189 : f32
    %mul3A_157 = arith.mulf %abs3A, %mul3A_156 : f32
    %broadcast_in_dim3A_158 = vector.broadcast %mul3A_157 : f32 to vector<16xf32>
    %div3A_159 = arith.divf %broadcast_in_dim3A_155, %broadcast_in_dim3A_158 : vector<16xf32>
    "tpu.trace_start"() <{level = 10 : i32, message = "table_build"}> : () -> ()
    %scan3A = arith.constant 0 : i32
    %scan3A_160 = arith.constant 0 : i32
    %scan3A_161 = arith.constant 80 : i32
    %scan3A_162 = arith.addi %scan3A_160, %scan3A_161 : i32
    %scan3A_163 = arith.constant 1 : i32
    %scan3A_164 = scf.for %scan3A_296 = %scan3A_160 to %scan3A_162 step %scan3A_163 iter_args(%scan3A_297 = %scan3A) -> (i32)  : i32 {
      %mul3A_298 = arith.constant 128 : i32
      %mul3A_299 = arith.muli %scan3A_296, %mul3A_298 : i32
      %add3A_300 = arith.constant 0 : i32
      %add3A_301 = arith.addi %mul3A_299, %add3A_300 : i32
      %mul3A_302 = arith.constant 128 : i32
      %mul3A_303 = arith.muli %scan3A_296, %mul3A_302 : i32
      %add3A_304 = arith.constant 16 : i32
      %add3A_305 = arith.addi %mul3A_303, %add3A_304 : i32
      %mul3A_306 = arith.constant 128 : i32
      %mul3A_307 = arith.muli %scan3A_296, %mul3A_306 : i32
      %add3A_308 = arith.constant 32 : i32
      %add3A_309 = arith.addi %mul3A_307, %add3A_308 : i32
      %mul3A_310 = arith.constant 128 : i32
      %mul3A_311 = arith.muli %scan3A_296, %mul3A_310 : i32
      %add3A_312 = arith.constant 48 : i32
      %add3A_313 = arith.addi %mul3A_311, %add3A_312 : i32
      %mul3A_314 = arith.constant 128 : i32
      %mul3A_315 = arith.muli %scan3A_296, %mul3A_314 : i32
      %add3A_316 = arith.constant 64 : i32
      %add3A_317 = arith.addi %mul3A_315, %add3A_316 : i32
      %mul3A_318 = arith.constant 128 : i32
      %mul3A_319 = arith.muli %scan3A_296, %mul3A_318 : i32
      %add3A_320 = arith.constant 80 : i32
      %add3A_321 = arith.addi %mul3A_319, %add3A_320 : i32
      %mul3A_322 = arith.constant 128 : i32
      %mul3A_323 = arith.muli %scan3A_296, %mul3A_322 : i32
      %add3A_324 = arith.constant 96 : i32
      %add3A_325 = arith.addi %mul3A_323, %add3A_324 : i32
      %mul3A_326 = arith.constant 128 : i32
      %mul3A_327 = arith.muli %scan3A_296, %mul3A_326 : i32
      %add3A_328 = arith.constant 112 : i32
      %add3A_329 = arith.addi %mul3A_327, %add3A_328 : i32
      %get3A_330 = arith.index_cast %add3A_301 : i32 to index
      %get3A_331 = tpu.vector_load %arg10[%get3A_330] {strides = array<i32>} : memref<10240xi32, #tpu.memory_space<vmem>>, vector<16xi32>,
      %get3A_332 = arith.index_cast %add3A_305 : i32 to index
      %get3A_333 = tpu.vector_load %arg10[%get3A_332] {strides = array<i32>} : memref<10240xi32, #tpu.memory_space<vmem>>, vector<16xi32>,
      %get3A_334 = arith.index_cast %add3A_309 : i32 to index
      %get3A_335 = tpu.vector_load %arg10[%get3A_334] {strides = array<i32>} : memref<10240xi32, #tpu.memory_space<vmem>>, vector<16xi32>,
      %get3A_336 = arith.index_cast %add3A_313 : i32 to index
      %get3A_337 = tpu.vector_load %arg10[%get3A_336] {strides = array<i32>} : memref<10240xi32, #tpu.memory_space<vmem>>, vector<16xi32>,
      %get3A_338 = arith.index_cast %add3A_317 : i32 to index
      %get3A_339 = tpu.vector_load %arg10[%get3A_338] {strides = array<i32>} : memref<10240xi32, #tpu.memory_space<vmem>>, vector<16xi32>,
      %get3A_340 = arith.index_cast %add3A_321 : i32 to index
      %get3A_341 = tpu.vector_load %arg10[%get3A_340] {strides = array<i32>} : memref<10240xi32, #tpu.memory_space<vmem>>, vector<16xi32>,
      %get3A_342 = arith.index_cast %add3A_325 : i32 to index
      %get3A_343 = tpu.vector_load %arg10[%get3A_342] {strides = array<i32>} : memref<10240xi32, #tpu.memory_space<vmem>>, vector<16xi32>,
      %get3A_344 = arith.index_cast %add3A_329 : i32 to index
      %get3A_345 = tpu.vector_load %arg10[%get3A_344] {strides = array<i32>} : memref<10240xi32, #tpu.memory_space<vmem>>, vector<16xi32>,
      %gather3A_346 = tpu.vector_load_idx %arg18[%get3A_331] : memref<96xf32, #tpu.memory_space<vmem>>[vector<16xi32>], vector<16xf32>,
      %gather3A_347 = tpu.vector_load_idx %arg18[%get3A_333] : memref<96xf32, #tpu.memory_space<vmem>>[vector<16xi32>], vector<16xf32>,
      %gather3A_348 = tpu.vector_load_idx %arg18[%get3A_335] : memref<96xf32, #tpu.memory_space<vmem>>[vector<16xi32>], vector<16xf32>,
      %gather3A_349 = tpu.vector_load_idx %arg18[%get3A_337] : memref<96xf32, #tpu.memory_space<vmem>>[vector<16xi32>], vector<16xf32>,
      %gather3A_350 = tpu.vector_load_idx %arg18[%get3A_339] : memref<96xf32, #tpu.memory_space<vmem>>[vector<16xi32>], vector<16xf32>,
      %gather3A_351 = tpu.vector_load_idx %arg18[%get3A_341] : memref<96xf32, #tpu.memory_space<vmem>>[vector<16xi32>], vector<16xf32>,
      %gather3A_352 = tpu.vector_load_idx %arg18[%get3A_343] : memref<96xf32, #tpu.memory_space<vmem>>[vector<16xi32>], vector<16xf32>,
      %gather3A_353 = tpu.vector_load_idx %arg18[%get3A_345] : memref<96xf32, #tpu.memory_space<vmem>>[vector<16xi32>], vector<16xf32>,
      %mul3A_354 = vector.broadcast %abs3A_82 : f32 to vector<16xf32>
      %mul3A_355 = arith.mulf %gather3A_346, %mul3A_354 : vector<16xf32>
      %exp3A_356 = math.exp %mul3A_355 : vector<16xf32>
      %mul3A_357 = arith.mulf %exp3A_356, %div3A_159 : vector<16xf32>
      %mul3A_358 = vector.broadcast %abs3A_82 : f32 to vector<16xf32>
      %mul3A_359 = arith.mulf %gather3A_347, %mul3A_358 : vector<16xf32>
      %exp3A_360 = math.exp %mul3A_359 : vector<16xf32>
      %mul3A_361 = arith.mulf %exp3A_360, %div3A_159 : vector<16xf32>
      %mul3A_362 = vector.broadcast %abs3A_82 : f32 to vector<16xf32>
      %mul3A_363 = arith.mulf %gather3A_348, %mul3A_362 : vector<16xf32>
      %exp3A_364 = math.exp %mul3A_363 : vector<16xf32>
      %mul3A_365 = arith.mulf %exp3A_364, %div3A_159 : vector<16xf32>
      %mul3A_366 = vector.broadcast %abs3A_82 : f32 to vector<16xf32>
      %mul3A_367 = arith.mulf %gather3A_349, %mul3A_366 : vector<16xf32>
      %exp3A_368 = math.exp %mul3A_367 : vector<16xf32>
      %mul3A_369 = arith.mulf %exp3A_368, %div3A_159 : vector<16xf32>
      %mul3A_370 = vector.broadcast %abs3A_82 : f32 to vector<16xf32>
      %mul3A_371 = arith.mulf %gather3A_350, %mul3A_370 : vector<16xf32>
      %exp3A_372 = math.exp %mul3A_371 : vector<16xf32>
      %mul3A_373 = arith.mulf %exp3A_372, %div3A_159 : vector<16xf32>
      %mul3A_374 = vector.broadcast %abs3A_82 : f32 to vector<16xf32>
      %mul3A_375 = arith.mulf %gather3A_351, %mul3A_374 : vector<16xf32>
      %exp3A_376 = math.exp %mul3A_375 : vector<16xf32>
      %mul3A_377 = arith.mulf %exp3A_376, %div3A_159 : vector<16xf32>
      %mul3A_378 = vector.broadcast %abs3A_82 : f32 to vector<16xf32>
      %mul3A_379 = arith.mulf %gather3A_352, %mul3A_378 : vector<16xf32>
      %exp3A_380 = math.exp %mul3A_379 : vector<16xf32>
      %mul3A_381 = arith.mulf %exp3A_380, %div3A_159 : vector<16xf32>
      %mul3A_382 = vector.broadcast %abs3A_82 : f32 to vector<16xf32>
      %mul3A_383 = arith.mulf %gather3A_353, %mul3A_382 : vector<16xf32>
      %exp3A_384 = math.exp %mul3A_383 : vector<16xf32>
      %mul3A_385 = arith.mulf %exp3A_384, %div3A_159 : vector<16xf32>
      %gt3A = arith.constant 0 : i32
      %gt3A_386 = vector.broadcast %gt3A : i32 to vector<16xi32>
      %gt3A_387 = arith.cmpi sgt, %get3A_331, %gt3A_386 : vector<16xi32>
      %gt3A_388 = arith.constant 0 : i32
      %gt3A_389 = vector.broadcast %gt3A_388 : i32 to vector<16xi32>
      %gt3A_390 = arith.cmpi sgt, %get3A_333, %gt3A_389 : vector<16xi32>
      %gt3A_391 = arith.constant 0 : i32
      %gt3A_392 = vector.broadcast %gt3A_391 : i32 to vector<16xi32>
      %gt3A_393 = arith.cmpi sgt, %get3A_335, %gt3A_392 : vector<16xi32>
      %gt3A_394 = arith.constant 0 : i32
      %gt3A_395 = vector.broadcast %gt3A_394 : i32 to vector<16xi32>
      %gt3A_396 = arith.cmpi sgt, %get3A_337, %gt3A_395 : vector<16xi32>
      %gt3A_397 = arith.constant 0 : i32
      %gt3A_398 = vector.broadcast %gt3A_397 : i32 to vector<16xi32>
      %gt3A_399 = arith.cmpi sgt, %get3A_339, %gt3A_398 : vector<16xi32>
      %gt3A_400 = arith.constant 0 : i32
      %gt3A_401 = vector.broadcast %gt3A_400 : i32 to vector<16xi32>
      %gt3A_402 = arith.cmpi sgt, %get3A_341, %gt3A_401 : vector<16xi32>
      %gt3A_403 = arith.constant 0 : i32
      %gt3A_404 = vector.broadcast %gt3A_403 : i32 to vector<16xi32>
      %gt3A_405 = arith.cmpi sgt, %get3A_343, %gt3A_404 : vector<16xi32>
      %gt3A_406 = arith.constant 0 : i32
      %gt3A_407 = vector.broadcast %gt3A_406 : i32 to vector<16xi32>
      %gt3A_408 = arith.cmpi sgt, %get3A_345, %gt3A_407 : vector<16xi32>
      %jit3A_409 = arith.constant 0.000000e+00 : f32
      %broadcast_in_dim3A_410 = vector.broadcast %jit3A_409 : f32 to vector<16xf32>
      %select_n3A_411 = arith.select %gt3A_387, %mul3A_357, %broadcast_in_dim3A_410 : vector<16xi1>, vector<16xf32>
      %swap3A_412 = arith.index_cast %add3A_301 : i32 to index
      %swap3A_413 = tpu.vector_load %arg11[%swap3A_412] {strides = array<i32>} : memref<10240xf32, #tpu.memory_space<vmem>>, vector<16xf32>,
      tpu.vector_store %arg11[%swap3A_412], %select_n3A_411 {strides = array<i32>} : memref<10240xf32, #tpu.memory_space<vmem>>, vector<16xf32>,
      %convert_element_type3A = arith.sitofp %get3A_331 : vector<16xi32> to vector<16xf32>
      %jit3A_414 = arith.constant 0.000000e+00 : f32
      %broadcast_in_dim3A_415 = vector.broadcast %jit3A_414 : f32 to vector<16xf32>
      %select_n3A_416 = arith.select %gt3A_387, %convert_element_type3A, %broadcast_in_dim3A_415 : vector<16xi1>, vector<16xf32>
      %swap3A_417 = arith.index_cast %add3A_301 : i32 to index
      %swap3A_418 = tpu.vector_load %arg12[%swap3A_417] {strides = array<i32>} : memref<10240xf32, #tpu.memory_space<vmem>>, vector<16xf32>,
      tpu.vector_store %arg12[%swap3A_417], %select_n3A_416 {strides = array<i32>} : memref<10240xf32, #tpu.memory_space<vmem>>, vector<16xf32>,
      %broadcast_in_dim3A_419 = arith.constant 0.000000e+00 : f32
      %broadcast_in_dim3A_420 = vector.broadcast %broadcast_in_dim3A_419 : f32 to vector<16xf32>
      %swap3A_421 = arith.index_cast %add3A_301 : i32 to index
      %swap3A_422 = tpu.vector_load %arg13[%swap3A_421] {strides = array<i32>} : memref<10240xf32, #tpu.memory_space<vmem>>, vector<16xf32>,
      tpu.vector_store %arg13[%swap3A_421], %broadcast_in_dim3A_420 {strides = array<i32>} : memref<10240xf32, #tpu.memory_space<vmem>>, vector<16xf32>,
      %jit3A_423 = arith.constant 0.000000e+00 : f32
      %broadcast_in_dim3A_424 = vector.broadcast %jit3A_423 : f32 to vector<16xf32>
      %select_n3A_425 = arith.select %gt3A_390, %mul3A_361, %broadcast_in_dim3A_424 : vector<16xi1>, vector<16xf32>
      %swap3A_426 = arith.index_cast %add3A_305 : i32 to index
      %swap3A_427 = tpu.vector_load %arg11[%swap3A_426] {strides = array<i32>} : memref<10240xf32, #tpu.memory_space<vmem>>, vector<16xf32>,
      tpu.vector_store %arg11[%swap3A_426], %select_n3A_425 {strides = array<i32>} : memref<10240xf32, #tpu.memory_space<vmem>>, vector<16xf32>,
      %convert_element_type3A_428 = arith.sitofp %get3A_333 : vector<16xi32> to vector<16xf32>
      %jit3A_429 = arith.constant 0.000000e+00 : f32
      %broadcast_in_dim3A_430 = vector.broadcast %jit3A_429 : f32 to vector<16xf32>
      %select_n3A_431 = arith.select %gt3A_390, %convert_element_type3A_428, %broadcast_in_dim3A_430 : vector<16xi1>, vector<16xf32>
      %swap3A_432 = arith.index_cast %add3A_305 : i32 to index
      %swap3A_433 = tpu.vector_load %arg12[%swap3A_432] {strides = array<i32>} : memref<10240xf32, #tpu.memory_space<vmem>>, vector<16xf32>,
      tpu.vector_store %arg12[%swap3A_432], %select_n3A_431 {strides = array<i32>} : memref<10240xf32, #tpu.memory_space<vmem>>, vector<16xf32>,
      %broadcast_in_dim3A_434 = arith.constant 0.000000e+00 : f32
      %broadcast_in_dim3A_435 = vector.broadcast %broadcast_in_dim3A_434 : f32 to vector<16xf32>
      %swap3A_436 = arith.index_cast %add3A_305 : i32 to index
      %swap3A_437 = tpu.vector_load %arg13[%swap3A_436] {strides = array<i32>} : memref<10240xf32, #tpu.memory_space<vmem>>, vector<16xf32>,
      tpu.vector_store %arg13[%swap3A_436], %broadcast_in_dim3A_435 {strides = array<i32>} : memref<10240xf32, #tpu.memory_space<vmem>>, vector<16xf32>,
      %jit3A_438 = arith.constant 0.000000e+00 : f32
      %broadcast_in_dim3A_439 = vector.broadcast %jit3A_438 : f32 to vector<16xf32>
      %select_n3A_440 = arith.select %gt3A_393, %mul3A_365, %broadcast_in_dim3A_439 : vector<16xi1>, vector<16xf32>
      %swap3A_441 = arith.index_cast %add3A_309 : i32 to index
      %swap3A_442 = tpu.vector_load %arg11[%swap3A_441] {strides = array<i32>} : memref<10240xf32, #tpu.memory_space<vmem>>, vector<16xf32>,
      tpu.vector_store %arg11[%swap3A_441], %select_n3A_440 {strides = array<i32>} : memref<10240xf32, #tpu.memory_space<vmem>>, vector<16xf32>,
      %convert_element_type3A_443 = arith.sitofp %get3A_335 : vector<16xi32> to vector<16xf32>
      %jit3A_444 = arith.constant 0.000000e+00 : f32
      %broadcast_in_dim3A_445 = vector.broadcast %jit3A_444 : f32 to vector<16xf32>
      %select_n3A_446 = arith.select %gt3A_393, %convert_element_type3A_443, %broadcast_in_dim3A_445 : vector<16xi1>, vector<16xf32>
      %swap3A_447 = arith.index_cast %add3A_309 : i32 to index
      %swap3A_448 = tpu.vector_load %arg12[%swap3A_447] {strides = array<i32>} : memref<10240xf32, #tpu.memory_space<vmem>>, vector<16xf32>,
      tpu.vector_store %arg12[%swap3A_447], %select_n3A_446 {strides = array<i32>} : memref<10240xf32, #tpu.memory_space<vmem>>, vector<16xf32>,
      %broadcast_in_dim3A_449 = arith.constant 0.000000e+00 : f32
      %broadcast_in_dim3A_450 = vector.broadcast %broadcast_in_dim3A_449 : f32 to vector<16xf32>
      %swap3A_451 = arith.index_cast %add3A_309 : i32 to index
      %swap3A_452 = tpu.vector_load %arg13[%swap3A_451] {strides = array<i32>} : memref<10240xf32, #tpu.memory_space<vmem>>, vector<16xf32>,
      tpu.vector_store %arg13[%swap3A_451], %broadcast_in_dim3A_450 {strides = array<i32>} : memref<10240xf32, #tpu.memory_space<vmem>>, vector<16xf32>,
      %jit3A_453 = arith.constant 0.000000e+00 : f32
      %broadcast_in_dim3A_454 = vector.broadcast %jit3A_453 : f32 to vector<16xf32>
      %select_n3A_455 = arith.select %gt3A_396, %mul3A_369, %broadcast_in_dim3A_454 : vector<16xi1>, vector<16xf32>
      %swap3A_456 = arith.index_cast %add3A_313 : i32 to index
      %swap3A_457 = tpu.vector_load %arg11[%swap3A_456] {strides = array<i32>} : memref<10240xf32, #tpu.memory_space<vmem>>, vector<16xf32>,
      tpu.vector_store %arg11[%swap3A_456], %select_n3A_455 {strides = array<i32>} : memref<10240xf32, #tpu.memory_space<vmem>>, vector<16xf32>,
      %convert_element_type3A_458 = arith.sitofp %get3A_337 : vector<16xi32> to vector<16xf32>
      %jit3A_459 = arith.constant 0.000000e+00 : f32
      %broadcast_in_dim3A_460 = vector.broadcast %jit3A_459 : f32 to vector<16xf32>
      %select_n3A_461 = arith.select %gt3A_396, %convert_element_type3A_458, %broadcast_in_dim3A_460 : vector<16xi1>, vector<16xf32>
      %swap3A_462 = arith.index_cast %add3A_313 : i32 to index
      %swap3A_463 = tpu.vector_load %arg12[%swap3A_462] {strides = array<i32>} : memref<10240xf32, #tpu.memory_space<vmem>>, vector<16xf32>,
      tpu.vector_store %arg12[%swap3A_462], %select_n3A_461 {strides = array<i32>} : memref<10240xf32, #tpu.memory_space<vmem>>, vector<16xf32>,
      %broadcast_in_dim3A_464 = arith.constant 0.000000e+00 : f32
      %broadcast_in_dim3A_465 = vector.broadcast %broadcast_in_dim3A_464 : f32 to vector<16xf32>
      %swap3A_466 = arith.index_cast %add3A_313 : i32 to index
      %swap3A_467 = tpu.vector_load %arg13[%swap3A_466] {strides = array<i32>} : memref<10240xf32, #tpu.memory_space<vmem>>, vector<16xf32>,
      tpu.vector_store %arg13[%swap3A_466], %broadcast_in_dim3A_465 {strides = array<i32>} : memref<10240xf32, #tpu.memory_space<vmem>>, vector<16xf32>,
      %jit3A_468 = arith.constant 0.000000e+00 : f32
      %broadcast_in_dim3A_469 = vector.broadcast %jit3A_468 : f32 to vector<16xf32>
      %select_n3A_470 = arith.select %gt3A_399, %mul3A_373, %broadcast_in_dim3A_469 : vector<16xi1>, vector<16xf32>
      %swap3A_471 = arith.index_cast %add3A_317 : i32 to index
      %swap3A_472 = tpu.vector_load %arg11[%swap3A_471] {strides = array<i32>} : memref<10240xf32, #tpu.memory_space<vmem>>, vector<16xf32>,
      tpu.vector_store %arg11[%swap3A_471], %select_n3A_470 {strides = array<i32>} : memref<10240xf32, #tpu.memory_space<vmem>>, vector<16xf32>,
      %convert_element_type3A_473 = arith.sitofp %get3A_339 : vector<16xi32> to vector<16xf32>
      %jit3A_474 = arith.constant 0.000000e+00 : f32
      %broadcast_in_dim3A_475 = vector.broadcast %jit3A_474 : f32 to vector<16xf32>
      %select_n3A_476 = arith.select %gt3A_399, %convert_element_type3A_473, %broadcast_in_dim3A_475 : vector<16xi1>, vector<16xf32>
      %swap3A_477 = arith.index_cast %add3A_317 : i32 to index
      %swap3A_478 = tpu.vector_load %arg12[%swap3A_477] {strides = array<i32>} : memref<10240xf32, #tpu.memory_space<vmem>>, vector<16xf32>,
      tpu.vector_store %arg12[%swap3A_477], %select_n3A_476 {strides = array<i32>} : memref<10240xf32, #tpu.memory_space<vmem>>, vector<16xf32>,
      %broadcast_in_dim3A_479 = arith.constant 0.000000e+00 : f32
      %broadcast_in_dim3A_480 = vector.broadcast %broadcast_in_dim3A_479 : f32 to vector<16xf32>
      %swap3A_481 = arith.index_cast %add3A_317 : i32 to index
      %swap3A_482 = tpu.vector_load %arg13[%swap3A_481] {strides = array<i32>} : memref<10240xf32, #tpu.memory_space<vmem>>, vector<16xf32>,
      tpu.vector_store %arg13[%swap3A_481], %broadcast_in_dim3A_480 {strides = array<i32>} : memref<10240xf32, #tpu.memory_space<vmem>>, vector<16xf32>,
      %jit3A_483 = arith.constant 0.000000e+00 : f32
      %broadcast_in_dim3A_484 = vector.broadcast %jit3A_483 : f32 to vector<16xf32>
      %select_n3A_485 = arith.select %gt3A_402, %mul3A_377, %broadcast_in_dim3A_484 : vector<16xi1>, vector<16xf32>
      %swap3A_486 = arith.index_cast %add3A_321 : i32 to index
      %swap3A_487 = tpu.vector_load %arg11[%swap3A_486] {strides = array<i32>} : memref<10240xf32, #tpu.memory_space<vmem>>, vector<16xf32>,
      tpu.vector_store %arg11[%swap3A_486], %select_n3A_485 {strides = array<i32>} : memref<10240xf32, #tpu.memory_space<vmem>>, vector<16xf32>,
      %convert_element_type3A_488 = arith.sitofp %get3A_341 : vector<16xi32> to vector<16xf32>
      %jit3A_489 = arith.constant 0.000000e+00 : f32
      %broadcast_in_dim3A_490 = vector.broadcast %jit3A_489 : f32 to vector<16xf32>
      %select_n3A_491 = arith.select %gt3A_402, %convert_element_type3A_488, %broadcast_in_dim3A_490 : vector<16xi1>, vector<16xf32>
      %swap3A_492 = arith.index_cast %add3A_321 : i32 to index
      %swap3A_493 = tpu.vector_load %arg12[%swap3A_492] {strides = array<i32>} : memref<10240xf32, #tpu.memory_space<vmem>>, vector<16xf32>,
      tpu.vector_store %arg12[%swap3A_492], %select_n3A_491 {strides = array<i32>} : memref<10240xf32, #tpu.memory_space<vmem>>, vector<16xf32>,
      %broadcast_in_dim3A_494 = arith.constant 0.000000e+00 : f32
      %broadcast_in_dim3A_495 = vector.broadcast %broadcast_in_dim3A_494 : f32 to vector<16xf32>
      %swap3A_496 = arith.index_cast %add3A_321 : i32 to index
      %swap3A_497 = tpu.vector_load %arg13[%swap3A_496] {strides = array<i32>} : memref<10240xf32, #tpu.memory_space<vmem>>, vector<16xf32>,
      tpu.vector_store %arg13[%swap3A_496], %broadcast_in_dim3A_495 {strides = array<i32>} : memref<10240xf32, #tpu.memory_space<vmem>>, vector<16xf32>,
      %jit3A_498 = arith.constant 0.000000e+00 : f32
      %broadcast_in_dim3A_499 = vector.broadcast %jit3A_498 : f32 to vector<16xf32>
      %select_n3A_500 = arith.select %gt3A_405, %mul3A_381, %broadcast_in_dim3A_499 : vector<16xi1>, vector<16xf32>
      %swap3A_501 = arith.index_cast %add3A_325 : i32 to index
      %swap3A_502 = tpu.vector_load %arg11[%swap3A_501] {strides = array<i32>} : memref<10240xf32, #tpu.memory_space<vmem>>, vector<16xf32>,
      tpu.vector_store %arg11[%swap3A_501], %select_n3A_500 {strides = array<i32>} : memref<10240xf32, #tpu.memory_space<vmem>>, vector<16xf32>,
      %convert_element_type3A_503 = arith.sitofp %get3A_343 : vector<16xi32> to vector<16xf32>
      %jit3A_504 = arith.constant 0.000000e+00 : f32
      %broadcast_in_dim3A_505 = vector.broadcast %jit3A_504 : f32 to vector<16xf32>
      %select_n3A_506 = arith.select %gt3A_405, %convert_element_type3A_503, %broadcast_in_dim3A_505 : vector<16xi1>, vector<16xf32>
      %swap3A_507 = arith.index_cast %add3A_325 : i32 to index
      %swap3A_508 = tpu.vector_load %arg12[%swap3A_507] {strides = array<i32>} : memref<10240xf32, #tpu.memory_space<vmem>>, vector<16xf32>,
      tpu.vector_store %arg12[%swap3A_507], %select_n3A_506 {strides = array<i32>} : memref<10240xf32, #tpu.memory_space<vmem>>, vector<16xf32>,
      %broadcast_in_dim3A_509 = arith.constant 0.000000e+00 : f32
      %broadcast_in_dim3A_510 = vector.broadcast %broadcast_in_dim3A_509 : f32 to vector<16xf32>
      %swap3A_511 = arith.index_cast %add3A_325 : i32 to index
      %swap3A_512 = tpu.vector_load %arg13[%swap3A_511] {strides = array<i32>} : memref<10240xf32, #tpu.memory_space<vmem>>, vector<16xf32>,
      tpu.vector_store %arg13[%swap3A_511], %broadcast_in_dim3A_510 {strides = array<i32>} : memref<10240xf32, #tpu.memory_space<vmem>>, vector<16xf32>,
      %jit3A_513 = arith.constant 0.000000e+00 : f32
      %broadcast_in_dim3A_514 = vector.broadcast %jit3A_513 : f32 to vector<16xf32>
      %select_n3A_515 = arith.select %gt3A_408, %mul3A_385, %broadcast_in_dim3A_514 : vector<16xi1>, vector<16xf32>
      %swap3A_516 = arith.index_cast %add3A_329 : i32 to index
      %swap3A_517 = tpu.vector_load %arg11[%swap3A_516] {strides = array<i32>} : memref<10240xf32, #tpu.memory_space<vmem>>, vector<16xf32>,
      tpu.vector_store %arg11[%swap3A_516], %select_n3A_515 {strides = array<i32>} : memref<10240xf32, #tpu.memory_space<vmem>>, vector<16xf32>,
      %convert_element_type3A_518 = arith.sitofp %get3A_345 : vector<16xi32> to vector<16xf32>
      %jit3A_519 = arith.constant 0.000000e+00 : f32
      %broadcast_in_dim3A_520 = vector.broadcast %jit3A_519 : f32 to vector<16xf32>
      %select_n3A_521 = arith.select %gt3A_408, %convert_element_type3A_518, %broadcast_in_dim3A_520 : vector<16xi1>, vector<16xf32>
      %swap3A_522 = arith.index_cast %add3A_329 : i32 to index
      %swap3A_523 = tpu.vector_load %arg12[%swap3A_522] {strides = array<i32>} : memref<10240xf32, #tpu.memory_space<vmem>>, vector<16xf32>,
      tpu.vector_store %arg12[%swap3A_522], %select_n3A_521 {strides = array<i32>} : memref<10240xf32, #tpu.memory_space<vmem>>, vector<16xf32>,
      %broadcast_in_dim3A_524 = arith.constant 0.000000e+00 : f32
      %broadcast_in_dim3A_525 = vector.broadcast %broadcast_in_dim3A_524 : f32 to vector<16xf32>
      %swap3A_526 = arith.index_cast %add3A_329 : i32 to index
      %swap3A_527 = tpu.vector_load %arg13[%swap3A_526] {strides = array<i32>} : memref<10240xf32, #tpu.memory_space<vmem>>, vector<16xf32>,
      tpu.vector_store %arg13[%swap3A_526], %broadcast_in_dim3A_525 {strides = array<i32>} : memref<10240xf32, #tpu.memory_space<vmem>>, vector<16xf32>,
      %scan3A_528 = arith.constant 0 : i32
      scf.yield %scan3A_528 : i32
    }
    %scan3A_165 = arith.constant 80 : i32
    "tpu.trace_stop"() : () -> ()
    "tpu.trace_start"() <{level = 10 : i32, message = "stage_edge_wait"}> : () -> ()
    %dma_wait3A_166 = arith.constant 0 : i32
    %dma_wait3A_167 = tpu.memref_slice %arg14[%dma_wait3A_166] : memref<20016xi32, #tpu.memory_space<vmem>> -> memref<20000xi32, #tpu.memory_space<vmem>>
    %dma_wait3A_168 = tpu.memref_slice %arg3[%mul3A_2] : memref<640000xi32, #tpu.memory_space<hbm>> -> memref<20000xi32, #tpu.memory_space<hbm>>
    %dma_wait3A_169 = arith.constant 0 : i32
    %dma_wait3A_170 = tpu.memref_slice %arg14[%dma_wait3A_169] : memref<20016xi32, #tpu.memory_space<vmem>> -> memref<20000xi32, #tpu.memory_space<vmem>>
    %dma_wait3A_171 = tpu.memref_slice %arg3[%mul3A_2] : memref<640000xi32, #tpu.memory_space<hbm>> -> memref<20000xi32, #tpu.memory_space<hbm>>
    tpu.wait_dma2 semaphore(%arg21 : memref<!tpu.dma_semaphore, #tpu.memory_space<semaphore_mem>>) src(%dma_wait3A_171 : memref<20000xi32, #tpu.memory_space<hbm>>) dst(%dma_wait3A_170 : memref<20000xi32, #tpu.memory_space<vmem>>)
    %dma_wait3A_172 = tpu.memref_slice %arg4[%mul3A_2] : memref<640000xi32, #tpu.memory_space<hbm>> -> memref<20000xi32, #tpu.memory_space<hbm>>
    %dma_wait3A_173 = tpu.memref_slice %arg4[%mul3A_2] : memref<640000xi32, #tpu.memory_space<hbm>> -> memref<20000xi32, #tpu.memory_space<hbm>>
    tpu.wait_dma2 semaphore(%arg21 : memref<!tpu.dma_semaphore, #tpu.memory_space<semaphore_mem>>) src(%dma_wait3A_173 : memref<20000xi32, #tpu.memory_space<hbm>>) dst(%arg15 : memref<20000xi32, #tpu.memory_space<vmem>>)
    %dma_wait3A_174 = tpu.memref_slice %arg5[%mul3A_2] : memref<640000xf32, #tpu.memory_space<hbm>> -> memref<20000xf32, #tpu.memory_space<hbm>>
    %dma_wait3A_175 = tpu.memref_slice %arg5[%mul3A_2] : memref<640000xf32, #tpu.memory_space<hbm>> -> memref<20000xf32, #tpu.memory_space<hbm>>
    tpu.wait_dma2 semaphore(%arg21 : memref<!tpu.dma_semaphore, #tpu.memory_space<semaphore_mem>>) src(%dma_wait3A_175 : memref<20000xf32, #tpu.memory_space<hbm>>) dst(%arg16 : memref<20000xf32, #tpu.memory_space<vmem>>)
    %dma_wait3A_176 = tpu.memref_slice %arg6[%mul3A_2] : memref<640000xf32, #tpu.memory_space<hbm>> -> memref<20000xf32, #tpu.memory_space<hbm>>
    %dma_wait3A_177 = tpu.memref_slice %arg6[%mul3A_2] : memref<640000xf32, #tpu.memory_space<hbm>> -> memref<20000xf32, #tpu.memory_space<hbm>>
    tpu.wait_dma2 semaphore(%arg21 : memref<!tpu.dma_semaphore, #tpu.memory_space<semaphore_mem>>) src(%dma_wait3A_177 : memref<20000xf32, #tpu.memory_space<hbm>>) dst(%arg17 : memref<20000xf32, #tpu.memory_space<vmem>>)
    %broadcast_in_dim3A_178 = arith.constant 0 : i32
    "tpu.trace_stop"() : () -> ()
    %broadcast_in_dim3A_179 = vector.broadcast %broadcast_in_dim3A_178 : i32 to vector<16xi32>
    %swap3A_180 = arith.constant 20000 : index
    %swap3A_181 = tpu.vector_load %arg14[%swap3A_180] {strides = array<i32>} : memref<20016xi32, #tpu.memory_space<vmem>>, vector<16xi32>,
    tpu.vector_store %arg14[%swap3A_180], %broadcast_in_dim3A_179 {strides = array<i32>} : memref<20016xi32, #tpu.memory_space<vmem>>, vector<16xi32>,
    %eq3A_182 = arith.constant 15 : i32
    %eq3A_183 = vector.broadcast %eq3A_182 : i32 to vector<16xi32>
    %eq3A_184 = arith.cmpi eq, %iota3A, %eq3A_183 : vector<16xi32>
    "tpu.trace_start"() <{level = 10 : i32, message = "edge_loop"}> : () -> ()
    %scan3A_185 = arith.constant 0 : i32
    %scan3A_186 = arith.constant 0 : i32
    %scan3A_187 = arith.constant 156 : i32
    %scan3A_188 = arith.addi %scan3A_186, %scan3A_187 : i32
    %scan3A_189 = arith.constant 1 : i32
    %scan3A_190 = scf.for %scan3A_296 = %scan3A_186 to %scan3A_188 step %scan3A_189 iter_args(%scan3A_297 = %scan3A_185) -> (i32)  : i32 {
      %mul3A_298 = arith.constant 128 : i32
      %mul3A_299 = arith.muli %scan3A_296, %mul3A_298 : i32
      %add3A_300 = arith.constant 0 : i32
      %add3A_301 = arith.addi %mul3A_299, %add3A_300 : i32
      %add3A_302 = arith.constant 16 : i32
      %add3A_303 = arith.addi %mul3A_299, %add3A_302 : i32
      %add3A_304 = arith.constant 32 : i32
      %add3A_305 = arith.addi %mul3A_299, %add3A_304 : i32
      %add3A_306 = arith.constant 48 : i32
      %add3A_307 = arith.addi %mul3A_299, %add3A_306 : i32
      %add3A_308 = arith.constant 64 : i32
      %add3A_309 = arith.addi %mul3A_299, %add3A_308 : i32
      %add3A_310 = arith.constant 80 : i32
      %add3A_311 = arith.addi %mul3A_299, %add3A_310 : i32
      %add3A_312 = arith.constant 96 : i32
      %add3A_313 = arith.addi %mul3A_299, %add3A_312 : i32
      %add3A_314 = arith.constant 112 : i32
      %add3A_315 = arith.addi %mul3A_299, %add3A_314 : i32
      %get3A_316 = arith.index_cast %add3A_301 : i32 to index
      %get3A_317 = tpu.vector_load %arg14[%get3A_316] {strides = array<i32>} : memref<20016xi32, #tpu.memory_space<vmem>>, vector<16xi32>,
      %get3A_318 = arith.index_cast %add3A_303 : i32 to index
      %get3A_319 = tpu.vector_load %arg14[%get3A_318] {strides = array<i32>} : memref<20016xi32, #tpu.memory_space<vmem>>, vector<16xi32>,
      %get3A_320 = arith.index_cast %add3A_305 : i32 to index
      %get3A_321 = tpu.vector_load %arg14[%get3A_320] {strides = array<i32>} : memref<20016xi32, #tpu.memory_space<vmem>>, vector<16xi32>,
      %get3A_322 = arith.index_cast %add3A_307 : i32 to index
      %get3A_323 = tpu.vector_load %arg14[%get3A_322] {strides = array<i32>} : memref<20016xi32, #tpu.memory_space<vmem>>, vector<16xi32>,
      %get3A_324 = arith.index_cast %add3A_309 : i32 to index
      %get3A_325 = tpu.vector_load %arg14[%get3A_324] {strides = array<i32>} : memref<20016xi32, #tpu.memory_space<vmem>>, vector<16xi32>,
      %get3A_326 = arith.index_cast %add3A_311 : i32 to index
      %get3A_327 = tpu.vector_load %arg14[%get3A_326] {strides = array<i32>} : memref<20016xi32, #tpu.memory_space<vmem>>, vector<16xi32>,
      %get3A_328 = arith.index_cast %add3A_313 : i32 to index
      %get3A_329 = tpu.vector_load %arg14[%get3A_328] {strides = array<i32>} : memref<20016xi32, #tpu.memory_space<vmem>>, vector<16xi32>,
      %get3A_330 = arith.index_cast %add3A_315 : i32 to index
      %get3A_331 = tpu.vector_load %arg14[%get3A_330] {strides = array<i32>} : memref<20016xi32, #tpu.memory_space<vmem>>, vector<16xi32>,
      %add3A_332 = arith.constant 1 : i32
      %add3A_333 = arith.addi %add3A_301, %add3A_332 : i32
      %get3A_334 = arith.index_cast %add3A_333 : i32 to index
      %get3A_335 = tpu.vector_load %arg14[%get3A_334] {strides = array<i32>} : memref<20016xi32, #tpu.memory_space<vmem>>, vector<16xi32>,
      %add3A_336 = arith.constant 1 : i32
      %add3A_337 = arith.addi %add3A_303, %add3A_336 : i32
      %get3A_338 = arith.index_cast %add3A_337 : i32 to index
      %get3A_339 = tpu.vector_load %arg14[%get3A_338] {strides = array<i32>} : memref<20016xi32, #tpu.memory_space<vmem>>, vector<16xi32>,
      %add3A_340 = arith.constant 1 : i32
      %add3A_341 = arith.addi %add3A_305, %add3A_340 : i32
      %get3A_342 = arith.index_cast %add3A_341 : i32 to index
      %get3A_343 = tpu.vector_load %arg14[%get3A_342] {strides = array<i32>} : memref<20016xi32, #tpu.memory_space<vmem>>, vector<16xi32>,
      %add3A_344 = arith.constant 1 : i32
      %add3A_345 = arith.addi %add3A_307, %add3A_344 : i32
      %get3A_346 = arith.index_cast %add3A_345 : i32 to index
      %get3A_347 = tpu.vector_load %arg14[%get3A_346] {strides = array<i32>} : memref<20016xi32, #tpu.memory_space<vmem>>, vector<16xi32>,
      %add3A_348 = arith.constant 1 : i32
      %add3A_349 = arith.addi %add3A_309, %add3A_348 : i32
      %get3A_350 = arith.index_cast %add3A_349 : i32 to index
      %get3A_351 = tpu.vector_load %arg14[%get3A_350] {strides = array<i32>} : memref<20016xi32, #tpu.memory_space<vmem>>, vector<16xi32>,
      %add3A_352 = arith.constant 1 : i32
      %add3A_353 = arith.addi %add3A_311, %add3A_352 : i32
      %get3A_354 = arith.index_cast %add3A_353 : i32 to index
      %get3A_355 = tpu.vector_load %arg14[%get3A_354] {strides = array<i32>} : memref<20016xi32, #tpu.memory_space<vmem>>, vector<16xi32>,
      %add3A_356 = arith.constant 1 : i32
      %add3A_357 = arith.addi %add3A_313, %add3A_356 : i32
      %get3A_358 = arith.index_cast %add3A_357 : i32 to index
      %get3A_359 = tpu.vector_load %arg14[%get3A_358] {strides = array<i32>} : memref<20016xi32, #tpu.memory_space<vmem>>, vector<16xi32>,
      %add3A_360 = arith.constant 1 : i32
      %add3A_361 = arith.addi %add3A_315, %add3A_360 : i32
      %get3A_362 = arith.index_cast %add3A_361 : i32 to index
      %get3A_363 = tpu.vector_load %arg14[%get3A_362] {strides = array<i32>} : memref<20016xi32, #tpu.memory_space<vmem>>, vector<16xi32>,
      %get3A_364 = arith.index_cast %add3A_301 : i32 to index
      %get3A_365 = tpu.vector_load %arg15[%get3A_364] {strides = array<i32>} : memref<20000xi32, #tpu.memory_space<vmem>>, vector<16xi32>,
      %get3A_366 = arith.index_cast %add3A_303 : i32 to index
      %get3A_367 = tpu.vector_load %arg15[%get3A_366] {strides = array<i32>} : memref<20000xi32, #tpu.memory_space<vmem>>, vector<16xi32>,
      %get3A_368 = arith.index_cast %add3A_305 : i32 to index
      %get3A_369 = tpu.vector_load %arg15[%get3A_368] {strides = array<i32>} : memref<20000xi32, #tpu.memory_space<vmem>>, vector<16xi32>,
      %get3A_370 = arith.index_cast %add3A_307 : i32 to index
      %get3A_371 = tpu.vector_load %arg15[%get3A_370] {strides = array<i32>} : memref<20000xi32, #tpu.memory_space<vmem>>, vector<16xi32>,
      %get3A_372 = arith.index_cast %add3A_309 : i32 to index
      %get3A_373 = tpu.vector_load %arg15[%get3A_372] {strides = array<i32>} : memref<20000xi32, #tpu.memory_space<vmem>>, vector<16xi32>,
      %get3A_374 = arith.index_cast %add3A_311 : i32 to index
      %get3A_375 = tpu.vector_load %arg15[%get3A_374] {strides = array<i32>} : memref<20000xi32, #tpu.memory_space<vmem>>, vector<16xi32>,
      %get3A_376 = arith.index_cast %add3A_313 : i32 to index
      %get3A_377 = tpu.vector_load %arg15[%get3A_376] {strides = array<i32>} : memref<20000xi32, #tpu.memory_space<vmem>>, vector<16xi32>,
      %get3A_378 = arith.index_cast %add3A_315 : i32 to index
      %get3A_379 = tpu.vector_load %arg15[%get3A_378] {strides = array<i32>} : memref<20000xi32, #tpu.memory_space<vmem>>, vector<16xi32>,
      %get3A_380 = arith.index_cast %add3A_301 : i32 to index
      %get3A_381 = tpu.vector_load %arg16[%get3A_380] {strides = array<i32>} : memref<20000xf32, #tpu.memory_space<vmem>>, vector<16xf32>,
      %get3A_382 = arith.index_cast %add3A_303 : i32 to index
      %get3A_383 = tpu.vector_load %arg16[%get3A_382] {strides = array<i32>} : memref<20000xf32, #tpu.memory_space<vmem>>, vector<16xf32>,
      %get3A_384 = arith.index_cast %add3A_305 : i32 to index
      %get3A_385 = tpu.vector_load %arg16[%get3A_384] {strides = array<i32>} : memref<20000xf32, #tpu.memory_space<vmem>>, vector<16xf32>,
      %get3A_386 = arith.index_cast %add3A_307 : i32 to index
      %get3A_387 = tpu.vector_load %arg16[%get3A_386] {strides = array<i32>} : memref<20000xf32, #tpu.memory_space<vmem>>, vector<16xf32>,
      %get3A_388 = arith.index_cast %add3A_309 : i32 to index
      %get3A_389 = tpu.vector_load %arg16[%get3A_388] {strides = array<i32>} : memref<20000xf32, #tpu.memory_space<vmem>>, vector<16xf32>,
      %get3A_390 = arith.index_cast %add3A_311 : i32 to index
      %get3A_391 = tpu.vector_load %arg16[%get3A_390] {strides = array<i32>} : memref<20000xf32, #tpu.memory_space<vmem>>, vector<16xf32>,
      %get3A_392 = arith.index_cast %add3A_313 : i32 to index
      %get3A_393 = tpu.vector_load %arg16[%get3A_392] {strides = array<i32>} : memref<20000xf32, #tpu.memory_space<vmem>>, vector<16xf32>,
      %get3A_394 = arith.index_cast %add3A_315 : i32 to index
      %get3A_395 = tpu.vector_load %arg16[%get3A_394] {strides = array<i32>} : memref<20000xf32, #tpu.memory_space<vmem>>, vector<16xf32>,
      %get3A_396 = arith.index_cast %add3A_301 : i32 to index
      %get3A_397 = tpu.vector_load %arg17[%get3A_396] {strides = array<i32>} : memref<20000xf32, #tpu.memory_space<vmem>>, vector<16xf32>,
      %get3A_398 = arith.index_cast %add3A_303 : i32 to index
      %get3A_399 = tpu.vector_load %arg17[%get3A_398] {strides = array<i32>} : memref<20000xf32, #tpu.memory_space<vmem>>, vector<16xf32>,
      %get3A_400 = arith.index_cast %add3A_305 : i32 to index
      %get3A_401 = tpu.vector_load %arg17[%get3A_400] {strides = array<i32>} : memref<20000xf32, #tpu.memory_space<vmem>>, vector<16xf32>,
      %get3A_402 = arith.index_cast %add3A_307 : i32 to index
      %get3A_403 = tpu.vector_load %arg17[%get3A_402] {strides = array<i32>} : memref<20000xf32, #tpu.memory_space<vmem>>, vector<16xf32>,
      %get3A_404 = arith.index_cast %add3A_309 : i32 to index
      %get3A_405 = tpu.vector_load %arg17[%get3A_404] {strides = array<i32>} : memref<20000xf32, #tpu.memory_space<vmem>>, vector<16xf32>,
      %get3A_406 = arith.index_cast %add3A_311 : i32 to index
      %get3A_407 = tpu.vector_load %arg17[%get3A_406] {strides = array<i32>} : memref<20000xf32, #tpu.memory_space<vmem>>, vector<16xf32>,
      %get3A_408 = arith.index_cast %add3A_313 : i32 to index
      %get3A_409 = tpu.vector_load %arg17[%get3A_408] {strides = array<i32>} : memref<20000xf32, #tpu.memory_space<vmem>>, vector<16xf32>,
      %get3A_410 = arith.index_cast %add3A_315 : i32 to index
      %get3A_411 = tpu.vector_load %arg17[%get3A_410] {strides = array<i32>} : memref<20000xf32, #tpu.memory_space<vmem>>, vector<16xf32>,
      %gather3A_412 = tpu.vector_load_idx %arg11[%get3A_317] : memref<10240xf32, #tpu.memory_space<vmem>>[vector<16xi32>], vector<16xf32>,
      %gather3A_413 = tpu.vector_load_idx %arg11[%get3A_319] : memref<10240xf32, #tpu.memory_space<vmem>>[vector<16xi32>], vector<16xf32>,
      %gather3A_414 = tpu.vector_load_idx %arg11[%get3A_321] : memref<10240xf32, #tpu.memory_space<vmem>>[vector<16xi32>], vector<16xf32>,
      %gather3A_415 = tpu.vector_load_idx %arg11[%get3A_323] : memref<10240xf32, #tpu.memory_space<vmem>>[vector<16xi32>], vector<16xf32>,
      %gather3A_416 = tpu.vector_load_idx %arg11[%get3A_325] : memref<10240xf32, #tpu.memory_space<vmem>>[vector<16xi32>], vector<16xf32>,
      %gather3A_417 = tpu.vector_load_idx %arg11[%get3A_327] : memref<10240xf32, #tpu.memory_space<vmem>>[vector<16xi32>], vector<16xf32>,
      %gather3A_418 = tpu.vector_load_idx %arg11[%get3A_329] : memref<10240xf32, #tpu.memory_space<vmem>>[vector<16xi32>], vector<16xf32>,
      %gather3A_419 = tpu.vector_load_idx %arg11[%get3A_331] : memref<10240xf32, #tpu.memory_space<vmem>>[vector<16xi32>], vector<16xf32>,
      %gather3A_420 = tpu.vector_load_idx %arg11[%get3A_365] : memref<10240xf32, #tpu.memory_space<vmem>>[vector<16xi32>], vector<16xf32>,
      %gather3A_421 = tpu.vector_load_idx %arg11[%get3A_367] : memref<10240xf32, #tpu.memory_space<vmem>>[vector<16xi32>], vector<16xf32>,
      %gather3A_422 = tpu.vector_load_idx %arg11[%get3A_369] : memref<10240xf32, #tpu.memory_space<vmem>>[vector<16xi32>], vector<16xf32>,
      %gather3A_423 = tpu.vector_load_idx %arg11[%get3A_371] : memref<10240xf32, #tpu.memory_space<vmem>>[vector<16xi32>], vector<16xf32>,
      %gather3A_424 = tpu.vector_load_idx %arg11[%get3A_373] : memref<10240xf32, #tpu.memory_space<vmem>>[vector<16xi32>], vector<16xf32>,
      %gather3A_425 = tpu.vector_load_idx %arg11[%get3A_375] : memref<10240xf32, #tpu.memory_space<vmem>>[vector<16xi32>], vector<16xf32>,
      %gather3A_426 = tpu.vector_load_idx %arg11[%get3A_377] : memref<10240xf32, #tpu.memory_space<vmem>>[vector<16xi32>], vector<16xf32>,
      %gather3A_427 = tpu.vector_load_idx %arg11[%get3A_379] : memref<10240xf32, #tpu.memory_space<vmem>>[vector<16xi32>], vector<16xf32>,
      %gather3A_428 = tpu.vector_load_idx %arg12[%get3A_317] : memref<10240xf32, #tpu.memory_space<vmem>>[vector<16xi32>], vector<16xf32>,
      %gather3A_429 = tpu.vector_load_idx %arg12[%get3A_319] : memref<10240xf32, #tpu.memory_space<vmem>>[vector<16xi32>], vector<16xf32>,
      %gather3A_430 = tpu.vector_load_idx %arg12[%get3A_321] : memref<10240xf32, #tpu.memory_space<vmem>>[vector<16xi32>], vector<16xf32>,
      %gather3A_431 = tpu.vector_load_idx %arg12[%get3A_323] : memref<10240xf32, #tpu.memory_space<vmem>>[vector<16xi32>], vector<16xf32>,
      %gather3A_432 = tpu.vector_load_idx %arg12[%get3A_325] : memref<10240xf32, #tpu.memory_space<vmem>>[vector<16xi32>], vector<16xf32>,
      %gather3A_433 = tpu.vector_load_idx %arg12[%get3A_327] : memref<10240xf32, #tpu.memory_space<vmem>>[vector<16xi32>], vector<16xf32>,
      %gather3A_434 = tpu.vector_load_idx %arg12[%get3A_329] : memref<10240xf32, #tpu.memory_space<vmem>>[vector<16xi32>], vector<16xf32>,
      %gather3A_435 = tpu.vector_load_idx %arg12[%get3A_331] : memref<10240xf32, #tpu.memory_space<vmem>>[vector<16xi32>], vector<16xf32>,
      %gather3A_436 = tpu.vector_load_idx %arg12[%get3A_365] : memref<10240xf32, #tpu.memory_space<vmem>>[vector<16xi32>], vector<16xf32>,
      %gather3A_437 = tpu.vector_load_idx %arg12[%get3A_367] : memref<10240xf32, #tpu.memory_space<vmem>>[vector<16xi32>], vector<16xf32>,
      %gather3A_438 = tpu.vector_load_idx %arg12[%get3A_369] : memref<10240xf32, #tpu.memory_space<vmem>>[vector<16xi32>], vector<16xf32>,
      %gather3A_439 = tpu.vector_load_idx %arg12[%get3A_371] : memref<10240xf32, #tpu.memory_space<vmem>>[vector<16xi32>], vector<16xf32>,
      %gather3A_440 = tpu.vector_load_idx %arg12[%get3A_373] : memref<10240xf32, #tpu.memory_space<vmem>>[vector<16xi32>], vector<16xf32>,
      %gather3A_441 = tpu.vector_load_idx %arg12[%get3A_375] : memref<10240xf32, #tpu.memory_space<vmem>>[vector<16xi32>], vector<16xf32>,
      %gather3A_442 = tpu.vector_load_idx %arg12[%get3A_377] : memref<10240xf32, #tpu.memory_space<vmem>>[vector<16xi32>], vector<16xf32>,
      %gather3A_443 = tpu.vector_load_idx %arg12[%get3A_379] : memref<10240xf32, #tpu.memory_space<vmem>>[vector<16xi32>], vector<16xf32>,
      %add3A_444 = arith.addf %gather3A_412, %gather3A_420 : vector<16xf32>
      %mul3A_445 = arith.mulf %get3A_381, %add3A_444 : vector<16xf32>
      %add3A_446 = arith.addf %gather3A_413, %gather3A_421 : vector<16xf32>
      %mul3A_447 = arith.mulf %get3A_383, %add3A_446 : vector<16xf32>
      %add3A_448 = arith.addf %gather3A_414, %gather3A_422 : vector<16xf32>
      %mul3A_449 = arith.mulf %get3A_385, %add3A_448 : vector<16xf32>
      %add3A_450 = arith.addf %gather3A_415, %gather3A_423 : vector<16xf32>
      %mul3A_451 = arith.mulf %get3A_387, %add3A_450 : vector<16xf32>
      %add3A_452 = arith.addf %gather3A_416, %gather3A_424 : vector<16xf32>
      %mul3A_453 = arith.mulf %get3A_389, %add3A_452 : vector<16xf32>
      %add3A_454 = arith.addf %gather3A_417, %gather3A_425 : vector<16xf32>
      %mul3A_455 = arith.mulf %get3A_391, %add3A_454 : vector<16xf32>
      %add3A_456 = arith.addf %gather3A_418, %gather3A_426 : vector<16xf32>
      %mul3A_457 = arith.mulf %get3A_393, %add3A_456 : vector<16xf32>
      %add3A_458 = arith.addf %gather3A_419, %gather3A_427 : vector<16xf32>
      %mul3A_459 = arith.mulf %get3A_395, %add3A_458 : vector<16xf32>
      %mul3A_460 = vector.broadcast %neg3A_138 : f32 to vector<16xf32>
      %mul3A_461 = arith.mulf %mul3A_460, %mul3A_445 : vector<16xf32>
      %exp3A_462 = math.exp %mul3A_461 : vector<16xf32>
      %mul3A_463 = vector.broadcast %neg3A_138 : f32 to vector<16xf32>
      %mul3A_464 = arith.mulf %mul3A_463, %mul3A_447 : vector<16xf32>
      %exp3A_465 = math.exp %mul3A_464 : vector<16xf32>
      %mul3A_466 = vector.broadcast %neg3A_138 : f32 to vector<16xf32>
      %mul3A_467 = arith.mulf %mul3A_466, %mul3A_449 : vector<16xf32>
      %exp3A_468 = math.exp %mul3A_467 : vector<16xf32>
      %mul3A_469 = vector.broadcast %neg3A_138 : f32 to vector<16xf32>
      %mul3A_470 = arith.mulf %mul3A_469, %mul3A_451 : vector<16xf32>
      %exp3A_471 = math.exp %mul3A_470 : vector<16xf32>
      %mul3A_472 = vector.broadcast %neg3A_138 : f32 to vector<16xf32>
      %mul3A_473 = arith.mulf %mul3A_472, %mul3A_453 : vector<16xf32>
      %exp3A_474 = math.exp %mul3A_473 : vector<16xf32>
      %mul3A_475 = vector.broadcast %neg3A_138 : f32 to vector<16xf32>
      %mul3A_476 = arith.mulf %mul3A_475, %mul3A_455 : vector<16xf32>
      %exp3A_477 = math.exp %mul3A_476 : vector<16xf32>
      %mul3A_478 = vector.broadcast %neg3A_138 : f32 to vector<16xf32>
      %mul3A_479 = arith.mulf %mul3A_478, %mul3A_457 : vector<16xf32>
      %exp3A_480 = math.exp %mul3A_479 : vector<16xf32>
      %mul3A_481 = vector.broadcast %neg3A_138 : f32 to vector<16xf32>
      %mul3A_482 = arith.mulf %mul3A_481, %mul3A_459 : vector<16xf32>
      %exp3A_483 = math.exp %mul3A_482 : vector<16xf32>
      %mul3A_484 = vector.broadcast %neg3A_143 : f32 to vector<16xf32>
      %mul3A_485 = arith.mulf %mul3A_484, %mul3A_445 : vector<16xf32>
      %exp3A_486 = math.exp %mul3A_485 : vector<16xf32>
      %mul3A_487 = vector.broadcast %neg3A_143 : f32 to vector<16xf32>
      %mul3A_488 = arith.mulf %mul3A_487, %mul3A_447 : vector<16xf32>
      %exp3A_489 = math.exp %mul3A_488 : vector<16xf32>
      %mul3A_490 = vector.broadcast %neg3A_143 : f32 to vector<16xf32>
      %mul3A_491 = arith.mulf %mul3A_490, %mul3A_449 : vector<16xf32>
      %exp3A_492 = math.exp %mul3A_491 : vector<16xf32>
      %mul3A_493 = vector.broadcast %neg3A_143 : f32 to vector<16xf32>
      %mul3A_494 = arith.mulf %mul3A_493, %mul3A_451 : vector<16xf32>
      %exp3A_495 = math.exp %mul3A_494 : vector<16xf32>
      %mul3A_496 = vector.broadcast %neg3A_143 : f32 to vector<16xf32>
      %mul3A_497 = arith.mulf %mul3A_496, %mul3A_453 : vector<16xf32>
      %exp3A_498 = math.exp %mul3A_497 : vector<16xf32>
      %mul3A_499 = vector.broadcast %neg3A_143 : f32 to vector<16xf32>
      %mul3A_500 = arith.mulf %mul3A_499, %mul3A_455 : vector<16xf32>
      %exp3A_501 = math.exp %mul3A_500 : vector<16xf32>
      %mul3A_502 = vector.broadcast %neg3A_143 : f32 to vector<16xf32>
      %mul3A_503 = arith.mulf %mul3A_502, %mul3A_457 : vector<16xf32>
      %exp3A_504 = math.exp %mul3A_503 : vector<16xf32>
      %mul3A_505 = vector.broadcast %neg3A_143 : f32 to vector<16xf32>
      %mul3A_506 = arith.mulf %mul3A_505, %mul3A_459 : vector<16xf32>
      %exp3A_507 = math.exp %mul3A_506 : vector<16xf32>
      %mul3A_508 = vector.broadcast %neg3A_148 : f32 to vector<16xf32>
      %mul3A_509 = arith.mulf %mul3A_508, %mul3A_445 : vector<16xf32>
      %exp3A_510 = math.exp %mul3A_509 : vector<16xf32>
      %mul3A_511 = vector.broadcast %neg3A_148 : f32 to vector<16xf32>
      %mul3A_512 = arith.mulf %mul3A_511, %mul3A_447 : vector<16xf32>
      %exp3A_513 = math.exp %mul3A_512 : vector<16xf32>
      %mul3A_514 = vector.broadcast %neg3A_148 : f32 to vector<16xf32>
      %mul3A_515 = arith.mulf %mul3A_514, %mul3A_449 : vector<16xf32>
      %exp3A_516 = math.exp %mul3A_515 : vector<16xf32>
      %mul3A_517 = vector.broadcast %neg3A_148 : f32 to vector<16xf32>
      %mul3A_518 = arith.mulf %mul3A_517, %mul3A_451 : vector<16xf32>
      %exp3A_519 = math.exp %mul3A_518 : vector<16xf32>
      %mul3A_520 = vector.broadcast %neg3A_148 : f32 to vector<16xf32>
      %mul3A_521 = arith.mulf %mul3A_520, %mul3A_453 : vector<16xf32>
      %exp3A_522 = math.exp %mul3A_521 : vector<16xf32>
      %mul3A_523 = vector.broadcast %neg3A_148 : f32 to vector<16xf32>
      %mul3A_524 = arith.mulf %mul3A_523, %mul3A_455 : vector<16xf32>
      %exp3A_525 = math.exp %mul3A_524 : vector<16xf32>
      %mul3A_526 = vector.broadcast %neg3A_148 : f32 to vector<16xf32>
      %mul3A_527 = arith.mulf %mul3A_526, %mul3A_457 : vector<16xf32>
      %exp3A_528 = math.exp %mul3A_527 : vector<16xf32>
      %mul3A_529 = vector.broadcast %neg3A_148 : f32 to vector<16xf32>
      %mul3A_530 = arith.mulf %mul3A_529, %mul3A_459 : vector<16xf32>
      %exp3A_531 = math.exp %mul3A_530 : vector<16xf32>
      %mul3A_532 = vector.broadcast %neg3A_153 : f32 to vector<16xf32>
      %mul3A_533 = arith.mulf %mul3A_532, %mul3A_445 : vector<16xf32>
      %exp3A_534 = math.exp %mul3A_533 : vector<16xf32>
      %mul3A_535 = vector.broadcast %neg3A_153 : f32 to vector<16xf32>
      %mul3A_536 = arith.mulf %mul3A_535, %mul3A_447 : vector<16xf32>
      %exp3A_537 = math.exp %mul3A_536 : vector<16xf32>
      %mul3A_538 = vector.broadcast %neg3A_153 : f32 to vector<16xf32>
      %mul3A_539 = arith.mulf %mul3A_538, %mul3A_449 : vector<16xf32>
      %exp3A_540 = math.exp %mul3A_539 : vector<16xf32>
      %mul3A_541 = vector.broadcast %neg3A_153 : f32 to vector<16xf32>
      %mul3A_542 = arith.mulf %mul3A_541, %mul3A_451 : vector<16xf32>
      %exp3A_543 = math.exp %mul3A_542 : vector<16xf32>
      %mul3A_544 = vector.broadcast %neg3A_153 : f32 to vector<16xf32>
      %mul3A_545 = arith.mulf %mul3A_544, %mul3A_453 : vector<16xf32>
      %exp3A_546 = math.exp %mul3A_545 : vector<16xf32>
      %mul3A_547 = vector.broadcast %neg3A_153 : f32 to vector<16xf32>
      %mul3A_548 = arith.mulf %mul3A_547, %mul3A_455 : vector<16xf32>
      %exp3A_549 = math.exp %mul3A_548 : vector<16xf32>
      %mul3A_550 = vector.broadcast %neg3A_153 : f32 to vector<16xf32>
      %mul3A_551 = arith.mulf %mul3A_550, %mul3A_457 : vector<16xf32>
      %exp3A_552 = math.exp %mul3A_551 : vector<16xf32>
      %mul3A_553 = vector.broadcast %neg3A_153 : f32 to vector<16xf32>
      %mul3A_554 = arith.mulf %mul3A_553, %mul3A_459 : vector<16xf32>
      %exp3A_555 = math.exp %mul3A_554 : vector<16xf32>
      %mul3A_556 = vector.broadcast %squeeze3A_128 : f32 to vector<16xf32>
      %mul3A_557 = arith.mulf %mul3A_556, %exp3A_462 : vector<16xf32>
      %mul3A_558 = vector.broadcast %squeeze3A_130 : f32 to vector<16xf32>
      %mul3A_559 = arith.mulf %mul3A_558, %exp3A_486 : vector<16xf32>
      %add3A_560 = arith.addf %mul3A_557, %mul3A_559 : vector<16xf32>
      %mul3A_561 = vector.broadcast %squeeze3A_132 : f32 to vector<16xf32>
      %mul3A_562 = arith.mulf %mul3A_561, %exp3A_510 : vector<16xf32>
      %mul3A_563 = vector.broadcast %squeeze3A_134 : f32 to vector<16xf32>
      %mul3A_564 = arith.mulf %mul3A_563, %exp3A_534 : vector<16xf32>
      %add3A_565 = arith.addf %mul3A_562, %mul3A_564 : vector<16xf32>
      %add3A_566 = arith.addf %add3A_560, %add3A_565 : vector<16xf32>
      %mul3A_567 = vector.broadcast %squeeze3A_128 : f32 to vector<16xf32>
      %mul3A_568 = arith.mulf %mul3A_567, %exp3A_465 : vector<16xf32>
      %mul3A_569 = vector.broadcast %squeeze3A_130 : f32 to vector<16xf32>
      %mul3A_570 = arith.mulf %mul3A_569, %exp3A_489 : vector<16xf32>
      %add3A_571 = arith.addf %mul3A_568, %mul3A_570 : vector<16xf32>
      %mul3A_572 = vector.broadcast %squeeze3A_132 : f32 to vector<16xf32>
      %mul3A_573 = arith.mulf %mul3A_572, %exp3A_513 : vector<16xf32>
      %mul3A_574 = vector.broadcast %squeeze3A_134 : f32 to vector<16xf32>
      %mul3A_575 = arith.mulf %mul3A_574, %exp3A_537 : vector<16xf32>
      %add3A_576 = arith.addf %mul3A_573, %mul3A_575 : vector<16xf32>
      %add3A_577 = arith.addf %add3A_571, %add3A_576 : vector<16xf32>
      %mul3A_578 = vector.broadcast %squeeze3A_128 : f32 to vector<16xf32>
      %mul3A_579 = arith.mulf %mul3A_578, %exp3A_468 : vector<16xf32>
      %mul3A_580 = vector.broadcast %squeeze3A_130 : f32 to vector<16xf32>
      %mul3A_581 = arith.mulf %mul3A_580, %exp3A_492 : vector<16xf32>
      %add3A_582 = arith.addf %mul3A_579, %mul3A_581 : vector<16xf32>
      %mul3A_583 = vector.broadcast %squeeze3A_132 : f32 to vector<16xf32>
      %mul3A_584 = arith.mulf %mul3A_583, %exp3A_516 : vector<16xf32>
      %mul3A_585 = vector.broadcast %squeeze3A_134 : f32 to vector<16xf32>
      %mul3A_586 = arith.mulf %mul3A_585, %exp3A_540 : vector<16xf32>
      %add3A_587 = arith.addf %mul3A_584, %mul3A_586 : vector<16xf32>
      %add3A_588 = arith.addf %add3A_582, %add3A_587 : vector<16xf32>
      %mul3A_589 = vector.broadcast %squeeze3A_128 : f32 to vector<16xf32>
      %mul3A_590 = arith.mulf %mul3A_589, %exp3A_471 : vector<16xf32>
      %mul3A_591 = vector.broadcast %squeeze3A_130 : f32 to vector<16xf32>
      %mul3A_592 = arith.mulf %mul3A_591, %exp3A_495 : vector<16xf32>
      %add3A_593 = arith.addf %mul3A_590, %mul3A_592 : vector<16xf32>
      %mul3A_594 = vector.broadcast %squeeze3A_132 : f32 to vector<16xf32>
      %mul3A_595 = arith.mulf %mul3A_594, %exp3A_519 : vector<16xf32>
      %mul3A_596 = vector.broadcast %squeeze3A_134 : f32 to vector<16xf32>
      %mul3A_597 = arith.mulf %mul3A_596, %exp3A_543 : vector<16xf32>
      %add3A_598 = arith.addf %mul3A_595, %mul3A_597 : vector<16xf32>
      %add3A_599 = arith.addf %add3A_593, %add3A_598 : vector<16xf32>
      %mul3A_600 = vector.broadcast %squeeze3A_128 : f32 to vector<16xf32>
      %mul3A_601 = arith.mulf %mul3A_600, %exp3A_474 : vector<16xf32>
      %mul3A_602 = vector.broadcast %squeeze3A_130 : f32 to vector<16xf32>
      %mul3A_603 = arith.mulf %mul3A_602, %exp3A_498 : vector<16xf32>
      %add3A_604 = arith.addf %mul3A_601, %mul3A_603 : vector<16xf32>
      %mul3A_605 = vector.broadcast %squeeze3A_132 : f32 to vector<16xf32>
      %mul3A_606 = arith.mulf %mul3A_605, %exp3A_522 : vector<16xf32>
      %mul3A_607 = vector.broadcast %squeeze3A_134 : f32 to vector<16xf32>
      %mul3A_608 = arith.mulf %mul3A_607, %exp3A_546 : vector<16xf32>
      %add3A_609 = arith.addf %mul3A_606, %mul3A_608 : vector<16xf32>
      %add3A_610 = arith.addf %add3A_604, %add3A_609 : vector<16xf32>
      %mul3A_611 = vector.broadcast %squeeze3A_128 : f32 to vector<16xf32>
      %mul3A_612 = arith.mulf %mul3A_611, %exp3A_477 : vector<16xf32>
      %mul3A_613 = vector.broadcast %squeeze3A_130 : f32 to vector<16xf32>
      %mul3A_614 = arith.mulf %mul3A_613, %exp3A_501 : vector<16xf32>
      %add3A_615 = arith.addf %mul3A_612, %mul3A_614 : vector<16xf32>
      %mul3A_616 = vector.broadcast %squeeze3A_132 : f32 to vector<16xf32>
      %mul3A_617 = arith.mulf %mul3A_616, %exp3A_525 : vector<16xf32>
      %mul3A_618 = vector.broadcast %squeeze3A_134 : f32 to vector<16xf32>
      %mul3A_619 = arith.mulf %mul3A_618, %exp3A_549 : vector<16xf32>
      %add3A_620 = arith.addf %mul3A_617, %mul3A_619 : vector<16xf32>
      %add3A_621 = arith.addf %add3A_615, %add3A_620 : vector<16xf32>
      %mul3A_622 = vector.broadcast %squeeze3A_128 : f32 to vector<16xf32>
      %mul3A_623 = arith.mulf %mul3A_622, %exp3A_480 : vector<16xf32>
      %mul3A_624 = vector.broadcast %squeeze3A_130 : f32 to vector<16xf32>
      %mul3A_625 = arith.mulf %mul3A_624, %exp3A_504 : vector<16xf32>
      %add3A_626 = arith.addf %mul3A_623, %mul3A_625 : vector<16xf32>
      %mul3A_627 = vector.broadcast %squeeze3A_132 : f32 to vector<16xf32>
      %mul3A_628 = arith.mulf %mul3A_627, %exp3A_528 : vector<16xf32>
      %mul3A_629 = vector.broadcast %squeeze3A_134 : f32 to vector<16xf32>
      %mul3A_630 = arith.mulf %mul3A_629, %exp3A_552 : vector<16xf32>
      %add3A_631 = arith.addf %mul3A_628, %mul3A_630 : vector<16xf32>
      %add3A_632 = arith.addf %add3A_626, %add3A_631 : vector<16xf32>
      %mul3A_633 = vector.broadcast %squeeze3A_128 : f32 to vector<16xf32>
      %mul3A_634 = arith.mulf %mul3A_633, %exp3A_483 : vector<16xf32>
      %mul3A_635 = vector.broadcast %squeeze3A_130 : f32 to vector<16xf32>
      %mul3A_636 = arith.mulf %mul3A_635, %exp3A_507 : vector<16xf32>
      %add3A_637 = arith.addf %mul3A_634, %mul3A_636 : vector<16xf32>
      %mul3A_638 = vector.broadcast %squeeze3A_132 : f32 to vector<16xf32>
      %mul3A_639 = arith.mulf %mul3A_638, %exp3A_531 : vector<16xf32>
      %mul3A_640 = vector.broadcast %squeeze3A_134 : f32 to vector<16xf32>
      %mul3A_641 = arith.mulf %mul3A_640, %exp3A_555 : vector<16xf32>
      %add3A_642 = arith.addf %mul3A_639, %mul3A_641 : vector<16xf32>
      %add3A_643 = arith.addf %add3A_637, %add3A_642 : vector<16xf32>
      %mul3A_644 = arith.mulf %gather3A_428, %gather3A_436 : vector<16xf32>
      %mul3A_645 = arith.mulf %mul3A_644, %add3A_566 : vector<16xf32>
      %mul3A_646 = arith.mulf %mul3A_645, %get3A_397 : vector<16xf32>
      %div3A_647 = arith.divf %mul3A_646, %get3A_381 : vector<16xf32>
      %mul3A_648 = arith.mulf %gather3A_429, %gather3A_437 : vector<16xf32>
      %mul3A_649 = arith.mulf %mul3A_648, %add3A_577 : vector<16xf32>
      %mul3A_650 = arith.mulf %mul3A_649, %get3A_399 : vector<16xf32>
      %div3A_651 = arith.divf %mul3A_650, %get3A_383 : vector<16xf32>
      %mul3A_652 = arith.mulf %gather3A_430, %gather3A_438 : vector<16xf32>
      %mul3A_653 = arith.mulf %mul3A_652, %add3A_588 : vector<16xf32>
      %mul3A_654 = arith.mulf %mul3A_653, %get3A_401 : vector<16xf32>
      %div3A_655 = arith.divf %mul3A_654, %get3A_385 : vector<16xf32>
      %mul3A_656 = arith.mulf %gather3A_431, %gather3A_439 : vector<16xf32>
      %mul3A_657 = arith.mulf %mul3A_656, %add3A_599 : vector<16xf32>
      %mul3A_658 = arith.mulf %mul3A_657, %get3A_403 : vector<16xf32>
      %div3A_659 = arith.divf %mul3A_658, %get3A_387 : vector<16xf32>
      %mul3A_660 = arith.mulf %gather3A_432, %gather3A_440 : vector<16xf32>
      %mul3A_661 = arith.mulf %mul3A_660, %add3A_610 : vector<16xf32>
      %mul3A_662 = arith.mulf %mul3A_661, %get3A_405 : vector<16xf32>
      %div3A_663 = arith.divf %mul3A_662, %get3A_389 : vector<16xf32>
      %mul3A_664 = arith.mulf %gather3A_433, %gather3A_441 : vector<16xf32>
      %mul3A_665 = arith.mulf %mul3A_664, %add3A_621 : vector<16xf32>
      %mul3A_666 = arith.mulf %mul3A_665, %get3A_407 : vector<16xf32>
      %div3A_667 = arith.divf %mul3A_666, %get3A_391 : vector<16xf32>
      %mul3A_668 = arith.mulf %gather3A_434, %gather3A_442 : vector<16xf32>
      %mul3A_669 = arith.mulf %mul3A_668, %add3A_632 : vector<16xf32>
      %mul3A_670 = arith.mulf %mul3A_669, %get3A_409 : vector<16xf32>
      %div3A_671 = arith.divf %mul3A_670, %get3A_393 : vector<16xf32>
      %mul3A_672 = arith.mulf %gather3A_435, %gather3A_443 : vector<16xf32>
      %mul3A_673 = arith.mulf %mul3A_672, %add3A_643 : vector<16xf32>
      %mul3A_674 = arith.mulf %mul3A_673, %get3A_411 : vector<16xf32>
      %div3A_675 = arith.divf %mul3A_674, %get3A_395 : vector<16xf32>
      %broadcast_in_dim3A_676 = arith.constant true
      %broadcast_in_dim3A_677 = vector.broadcast %broadcast_in_dim3A_676 : i1 to vector<16xi1>
      %masked_cumsum3A_678 = tpu.scan <sum>, %div3A_647 masked %broadcast_in_dim3A_677 : vector<16xf32>, vector<16xi1> -> vector<16xf32>
      %broadcast_in_dim3A_679 = arith.constant true
      %broadcast_in_dim3A_680 = vector.broadcast %broadcast_in_dim3A_679 : i1 to vector<16xi1>
      %masked_cumsum3A_681 = tpu.scan <sum>, %div3A_651 masked %broadcast_in_dim3A_680 : vector<16xf32>, vector<16xi1> -> vector<16xf32>
      %broadcast_in_dim3A_682 = arith.constant true
      %broadcast_in_dim3A_683 = vector.broadcast %broadcast_in_dim3A_682 : i1 to vector<16xi1>
      %masked_cumsum3A_684 = tpu.scan <sum>, %div3A_655 masked %broadcast_in_dim3A_683 : vector<16xf32>, vector<16xi1> -> vector<16xf32>
      %broadcast_in_dim3A_685 = arith.constant true
      %broadcast_in_dim3A_686 = vector.broadcast %broadcast_in_dim3A_685 : i1 to vector<16xi1>
      %masked_cumsum3A_687 = tpu.scan <sum>, %div3A_659 masked %broadcast_in_dim3A_686 : vector<16xf32>, vector<16xi1> -> vector<16xf32>
      %broadcast_in_dim3A_688 = arith.constant true
      %broadcast_in_dim3A_689 = vector.broadcast %broadcast_in_dim3A_688 : i1 to vector<16xi1>
      %masked_cumsum3A_690 = tpu.scan <sum>, %div3A_663 masked %broadcast_in_dim3A_689 : vector<16xf32>, vector<16xi1> -> vector<16xf32>
      %broadcast_in_dim3A_691 = arith.constant true
      %broadcast_in_dim3A_692 = vector.broadcast %broadcast_in_dim3A_691 : i1 to vector<16xi1>
      %masked_cumsum3A_693 = tpu.scan <sum>, %div3A_667 masked %broadcast_in_dim3A_692 : vector<16xf32>, vector<16xi1> -> vector<16xf32>
      %broadcast_in_dim3A_694 = arith.constant true
      %broadcast_in_dim3A_695 = vector.broadcast %broadcast_in_dim3A_694 : i1 to vector<16xi1>
      %masked_cumsum3A_696 = tpu.scan <sum>, %div3A_671 masked %broadcast_in_dim3A_695 : vector<16xf32>, vector<16xi1> -> vector<16xf32>
      %broadcast_in_dim3A_697 = arith.constant true
      %broadcast_in_dim3A_698 = vector.broadcast %broadcast_in_dim3A_697 : i1 to vector<16xi1>
      %masked_cumsum3A_699 = tpu.scan <sum>, %div3A_675 masked %broadcast_in_dim3A_698 : vector<16xf32>, vector<16xi1> -> vector<16xf32>
      %ne3A_700 = arith.cmpi ne, %get3A_317, %get3A_335 : vector<16xi32>
      %or3A_701 = arith.ori %ne3A_700, %eq3A_184 : vector<16xi1>
      %ne3A_702 = arith.cmpi ne, %get3A_319, %get3A_339 : vector<16xi32>
      %or3A_703 = arith.ori %ne3A_702, %eq3A_184 : vector<16xi1>
      %ne3A_704 = arith.cmpi ne, %get3A_321, %get3A_343 : vector<16xi32>
      %or3A_705 = arith.ori %ne3A_704, %eq3A_184 : vector<16xi1>
      %ne3A_706 = arith.cmpi ne, %get3A_323, %get3A_347 : vector<16xi32>
      %or3A_707 = arith.ori %ne3A_706, %eq3A_184 : vector<16xi1>
      %ne3A_708 = arith.cmpi ne, %get3A_325, %get3A_351 : vector<16xi32>
      %or3A_709 = arith.ori %ne3A_708, %eq3A_184 : vector<16xi1>
      %ne3A_710 = arith.cmpi ne, %get3A_327, %get3A_355 : vector<16xi32>
      %or3A_711 = arith.ori %ne3A_710, %eq3A_184 : vector<16xi1>
      %ne3A_712 = arith.cmpi ne, %get3A_329, %get3A_359 : vector<16xi32>
      %or3A_713 = arith.ori %ne3A_712, %eq3A_184 : vector<16xi1>
      %ne3A_714 = arith.cmpi ne, %get3A_331, %get3A_363 : vector<16xi32>
      %or3A_715 = arith.ori %ne3A_714, %eq3A_184 : vector<16xi1>
      %ne3A_716 = arith.cmpi ne, %get3A_317, %get3A_335 : vector<16xi32>
      %not3A_717 = arith.constant dense<true> : vector<16xi1>
      %not3A_718 = arith.xori %eq3A_184, %not3A_717 : vector<16xi1>
      %and3A_719 = arith.andi %ne3A_716, %not3A_718 : vector<16xi1>
      %ne3A_720 = arith.cmpi ne, %get3A_319, %get3A_339 : vector<16xi32>
      %not3A_721 = arith.constant dense<true> : vector<16xi1>
      %not3A_722 = arith.xori %eq3A_184, %not3A_721 : vector<16xi1>
      %and3A_723 = arith.andi %ne3A_720, %not3A_722 : vector<16xi1>
      %ne3A_724 = arith.cmpi ne, %get3A_321, %get3A_343 : vector<16xi32>
      %not3A_725 = arith.constant dense<true> : vector<16xi1>
      %not3A_726 = arith.xori %eq3A_184, %not3A_725 : vector<16xi1>
      %and3A_727 = arith.andi %ne3A_724, %not3A_726 : vector<16xi1>
      %ne3A_728 = arith.cmpi ne, %get3A_323, %get3A_347 : vector<16xi32>
      %not3A_729 = arith.constant dense<true> : vector<16xi1>
      %not3A_730 = arith.xori %eq3A_184, %not3A_729 : vector<16xi1>
      %and3A_731 = arith.andi %ne3A_728, %not3A_730 : vector<16xi1>
      %ne3A_732 = arith.cmpi ne, %get3A_325, %get3A_351 : vector<16xi32>
      %not3A_733 = arith.constant dense<true> : vector<16xi1>
      %not3A_734 = arith.xori %eq3A_184, %not3A_733 : vector<16xi1>
      %and3A_735 = arith.andi %ne3A_732, %not3A_734 : vector<16xi1>
      %ne3A_736 = arith.cmpi ne, %get3A_327, %get3A_355 : vector<16xi32>
      %not3A_737 = arith.constant dense<true> : vector<16xi1>
      %not3A_738 = arith.xori %eq3A_184, %not3A_737 : vector<16xi1>
      %and3A_739 = arith.andi %ne3A_736, %not3A_738 : vector<16xi1>
      %ne3A_740 = arith.cmpi ne, %get3A_329, %get3A_359 : vector<16xi32>
      %not3A_741 = arith.constant dense<true> : vector<16xi1>
      %not3A_742 = arith.xori %eq3A_184, %not3A_741 : vector<16xi1>
      %and3A_743 = arith.andi %ne3A_740, %not3A_742 : vector<16xi1>
      %ne3A_744 = arith.cmpi ne, %get3A_331, %get3A_363 : vector<16xi32>
      %not3A_745 = arith.constant dense<true> : vector<16xi1>
      %not3A_746 = arith.xori %eq3A_184, %not3A_745 : vector<16xi1>
      %and3A_747 = arith.andi %ne3A_744, %not3A_746 : vector<16xi1>
      tpu.vector_store_idx %arg13[%get3A_317], %masked_cumsum3A_678 masked %or3A_701 {add = true} : memref<10240xf32, #tpu.memory_space<vmem>>[vector<16xi32>], vector<16xf32>, vector<16xi1>
      %neg3A_748 = arith.constant 0.000000e+00 : f32
      %neg3A_749 = vector.broadcast %neg3A_748 : f32 to vector<16xf32>
      %neg3A_750 = arith.subf %neg3A_749, %masked_cumsum3A_678 : vector<16xf32>
      tpu.vector_store_idx %arg13[%get3A_335], %neg3A_750 masked %and3A_719 {add = true} : memref<10240xf32, #tpu.memory_space<vmem>>[vector<16xi32>], vector<16xf32>, vector<16xi1>
      tpu.vector_store_idx %arg13[%get3A_319], %masked_cumsum3A_681 masked %or3A_703 {add = true} : memref<10240xf32, #tpu.memory_space<vmem>>[vector<16xi32>], vector<16xf32>, vector<16xi1>
      %neg3A_751 = arith.constant 0.000000e+00 : f32
      %neg3A_752 = vector.broadcast %neg3A_751 : f32 to vector<16xf32>
      %neg3A_753 = arith.subf %neg3A_752, %masked_cumsum3A_681 : vector<16xf32>
      tpu.vector_store_idx %arg13[%get3A_339], %neg3A_753 masked %and3A_723 {add = true} : memref<10240xf32, #tpu.memory_space<vmem>>[vector<16xi32>], vector<16xf32>, vector<16xi1>
      tpu.vector_store_idx %arg13[%get3A_321], %masked_cumsum3A_684 masked %or3A_705 {add = true} : memref<10240xf32, #tpu.memory_space<vmem>>[vector<16xi32>], vector<16xf32>, vector<16xi1>
      %neg3A_754 = arith.constant 0.000000e+00 : f32
      %neg3A_755 = vector.broadcast %neg3A_754 : f32 to vector<16xf32>
      %neg3A_756 = arith.subf %neg3A_755, %masked_cumsum3A_684 : vector<16xf32>
      tpu.vector_store_idx %arg13[%get3A_343], %neg3A_756 masked %and3A_727 {add = true} : memref<10240xf32, #tpu.memory_space<vmem>>[vector<16xi32>], vector<16xf32>, vector<16xi1>
      tpu.vector_store_idx %arg13[%get3A_323], %masked_cumsum3A_687 masked %or3A_707 {add = true} : memref<10240xf32, #tpu.memory_space<vmem>>[vector<16xi32>], vector<16xf32>, vector<16xi1>
      %neg3A_757 = arith.constant 0.000000e+00 : f32
      %neg3A_758 = vector.broadcast %neg3A_757 : f32 to vector<16xf32>
      %neg3A_759 = arith.subf %neg3A_758, %masked_cumsum3A_687 : vector<16xf32>
      tpu.vector_store_idx %arg13[%get3A_347], %neg3A_759 masked %and3A_731 {add = true} : memref<10240xf32, #tpu.memory_space<vmem>>[vector<16xi32>], vector<16xf32>, vector<16xi1>
      tpu.vector_store_idx %arg13[%get3A_325], %masked_cumsum3A_690 masked %or3A_709 {add = true} : memref<10240xf32, #tpu.memory_space<vmem>>[vector<16xi32>], vector<16xf32>, vector<16xi1>
      %neg3A_760 = arith.constant 0.000000e+00 : f32
      %neg3A_761 = vector.broadcast %neg3A_760 : f32 to vector<16xf32>
      %neg3A_762 = arith.subf %neg3A_761, %masked_cumsum3A_690 : vector<16xf32>
      tpu.vector_store_idx %arg13[%get3A_351], %neg3A_762 masked %and3A_735 {add = true} : memref<10240xf32, #tpu.memory_space<vmem>>[vector<16xi32>], vector<16xf32>, vector<16xi1>
      tpu.vector_store_idx %arg13[%get3A_327], %masked_cumsum3A_693 masked %or3A_711 {add = true} : memref<10240xf32, #tpu.memory_space<vmem>>[vector<16xi32>], vector<16xf32>, vector<16xi1>
      %neg3A_763 = arith.constant 0.000000e+00 : f32
      %neg3A_764 = vector.broadcast %neg3A_763 : f32 to vector<16xf32>
      %neg3A_765 = arith.subf %neg3A_764, %masked_cumsum3A_693 : vector<16xf32>
      tpu.vector_store_idx %arg13[%get3A_355], %neg3A_765 masked %and3A_739 {add = true} : memref<10240xf32, #tpu.memory_space<vmem>>[vector<16xi32>], vector<16xf32>, vector<16xi1>
      tpu.vector_store_idx %arg13[%get3A_329], %masked_cumsum3A_696 masked %or3A_713 {add = true} : memref<10240xf32, #tpu.memory_space<vmem>>[vector<16xi32>], vector<16xf32>, vector<16xi1>
      %neg3A_766 = arith.constant 0.000000e+00 : f32
      %neg3A_767 = vector.broadcast %neg3A_766 : f32 to vector<16xf32>
      %neg3A_768 = arith.subf %neg3A_767, %masked_cumsum3A_696 : vector<16xf32>
      tpu.vector_store_idx %arg13[%get3A_359], %neg3A_768 masked %and3A_743 {add = true} : memref<10240xf32, #tpu.memory_space<vmem>>[vector<16xi32>], vector<16xf32>, vector<16xi1>
      tpu.vector_store_idx %arg13[%get3A_331], %masked_cumsum3A_699 masked %or3A_715 {add = true} : memref<10240xf32, #tpu.memory_space<vmem>>[vector<16xi32>], vector<16xf32>, vector<16xi1>
      %neg3A_769 = arith.constant 0.000000e+00 : f32
      %neg3A_770 = vector.broadcast %neg3A_769 : f32 to vector<16xf32>
      %neg3A_771 = arith.subf %neg3A_770, %masked_cumsum3A_699 : vector<16xf32>
      tpu.vector_store_idx %arg13[%get3A_363], %neg3A_771 masked %and3A_747 {add = true} : memref<10240xf32, #tpu.memory_space<vmem>>[vector<16xi32>], vector<16xf32>, vector<16xi1>
      %scan3A_772 = arith.constant 0 : i32
      scf.yield %scan3A_772 : i32
    }
    %scan3A_191 = arith.constant 156 : i32
    %get3A_192 = arith.constant 19968 : index
    %get3A_193 = tpu.vector_load %arg14[%get3A_192] {strides = array<i32>} : memref<20016xi32, #tpu.memory_space<vmem>>, vector<16xi32>,
    %get3A_194 = arith.constant 19984 : index
    %get3A_195 = tpu.vector_load %arg14[%get3A_194] {strides = array<i32>} : memref<20016xi32, #tpu.memory_space<vmem>>, vector<16xi32>,
    %get3A_196 = arith.constant 19969 : index
    %get3A_197 = tpu.vector_load %arg14[%get3A_196] {strides = array<i32>} : memref<20016xi32, #tpu.memory_space<vmem>>, vector<16xi32>,
    %get3A_198 = arith.constant 19985 : index
    %get3A_199 = tpu.vector_load %arg14[%get3A_198] {strides = array<i32>} : memref<20016xi32, #tpu.memory_space<vmem>>, vector<16xi32>,
    %get3A_200 = arith.constant 19968 : index
    %get3A_201 = tpu.vector_load %arg15[%get3A_200] {strides = array<i32>} : memref<20000xi32, #tpu.memory_space<vmem>>, vector<16xi32>,
    %get3A_202 = arith.constant 19984 : index
    %get3A_203 = tpu.vector_load %arg15[%get3A_202] {strides = array<i32>} : memref<20000xi32, #tpu.memory_space<vmem>>, vector<16xi32>,
    %get3A_204 = arith.constant 19968 : index
    %get3A_205 = tpu.vector_load %arg16[%get3A_204] {strides = array<i32>} : memref<20000xf32, #tpu.memory_space<vmem>>, vector<16xf32>,
    %get3A_206 = arith.constant 19984 : index
    %get3A_207 = tpu.vector_load %arg16[%get3A_206] {strides = array<i32>} : memref<20000xf32, #tpu.memory_space<vmem>>, vector<16xf32>,
    %get3A_208 = arith.constant 19968 : index
    %get3A_209 = tpu.vector_load %arg17[%get3A_208] {strides = array<i32>} : memref<20000xf32, #tpu.memory_space<vmem>>, vector<16xf32>,
    %get3A_210 = arith.constant 19984 : index
    %get3A_211 = tpu.vector_load %arg17[%get3A_210] {strides = array<i32>} : memref<20000xf32, #tpu.memory_space<vmem>>, vector<16xf32>,
    %gather3A = tpu.vector_load_idx %arg11[%get3A_193] : memref<10240xf32, #tpu.memory_space<vmem>>[vector<16xi32>], vector<16xf32>,
    %gather3A_212 = tpu.vector_load_idx %arg11[%get3A_195] : memref<10240xf32, #tpu.memory_space<vmem>>[vector<16xi32>], vector<16xf32>,
    %gather3A_213 = tpu.vector_load_idx %arg11[%get3A_201] : memref<10240xf32, #tpu.memory_space<vmem>>[vector<16xi32>], vector<16xf32>,
    %gather3A_214 = tpu.vector_load_idx %arg11[%get3A_203] : memref<10240xf32, #tpu.memory_space<vmem>>[vector<16xi32>], vector<16xf32>,
    %gather3A_215 = tpu.vector_load_idx %arg12[%get3A_193] : memref<10240xf32, #tpu.memory_space<vmem>>[vector<16xi32>], vector<16xf32>,
    %gather3A_216 = tpu.vector_load_idx %arg12[%get3A_195] : memref<10240xf32, #tpu.memory_space<vmem>>[vector<16xi32>], vector<16xf32>,
    %gather3A_217 = tpu.vector_load_idx %arg12[%get3A_201] : memref<10240xf32, #tpu.memory_space<vmem>>[vector<16xi32>], vector<16xf32>,
    %gather3A_218 = tpu.vector_load_idx %arg12[%get3A_203] : memref<10240xf32, #tpu.memory_space<vmem>>[vector<16xi32>], vector<16xf32>,
    %add3A_219 = arith.addf %gather3A, %gather3A_213 : vector<16xf32>
    %mul3A_220 = arith.mulf %get3A_205, %add3A_219 : vector<16xf32>
    %add3A_221 = arith.addf %gather3A_212, %gather3A_214 : vector<16xf32>
    %mul3A_222 = arith.mulf %get3A_207, %add3A_221 : vector<16xf32>
    %mul3A_223 = vector.broadcast %neg3A_138 : f32 to vector<16xf32>
    %mul3A_224 = arith.mulf %mul3A_223, %mul3A_220 : vector<16xf32>
    %exp3A_225 = math.exp %mul3A_224 : vector<16xf32>
    %mul3A_226 = vector.broadcast %neg3A_138 : f32 to vector<16xf32>
    %mul3A_227 = arith.mulf %mul3A_226, %mul3A_222 : vector<16xf32>
    %exp3A_228 = math.exp %mul3A_227 : vector<16xf32>
    %mul3A_229 = vector.broadcast %neg3A_143 : f32 to vector<16xf32>
    %mul3A_230 = arith.mulf %mul3A_229, %mul3A_220 : vector<16xf32>
    %exp3A_231 = math.exp %mul3A_230 : vector<16xf32>
    %mul3A_232 = vector.broadcast %neg3A_143 : f32 to vector<16xf32>
    %mul3A_233 = arith.mulf %mul3A_232, %mul3A_222 : vector<16xf32>
    %exp3A_234 = math.exp %mul3A_233 : vector<16xf32>
    %mul3A_235 = vector.broadcast %neg3A_148 : f32 to vector<16xf32>
    %mul3A_236 = arith.mulf %mul3A_235, %mul3A_220 : vector<16xf32>
    %exp3A_237 = math.exp %mul3A_236 : vector<16xf32>
    %mul3A_238 = vector.broadcast %neg3A_148 : f32 to vector<16xf32>
    %mul3A_239 = arith.mulf %mul3A_238, %mul3A_222 : vector<16xf32>
    %exp3A_240 = math.exp %mul3A_239 : vector<16xf32>
    %mul3A_241 = vector.broadcast %neg3A_153 : f32 to vector<16xf32>
    %mul3A_242 = arith.mulf %mul3A_241, %mul3A_220 : vector<16xf32>
    %exp3A_243 = math.exp %mul3A_242 : vector<16xf32>
    %mul3A_244 = vector.broadcast %neg3A_153 : f32 to vector<16xf32>
    %mul3A_245 = arith.mulf %mul3A_244, %mul3A_222 : vector<16xf32>
    %exp3A_246 = math.exp %mul3A_245 : vector<16xf32>
    %mul3A_247 = vector.broadcast %squeeze3A_128 : f32 to vector<16xf32>
    %mul3A_248 = arith.mulf %mul3A_247, %exp3A_225 : vector<16xf32>
    %mul3A_249 = vector.broadcast %squeeze3A_130 : f32 to vector<16xf32>
    %mul3A_250 = arith.mulf %mul3A_249, %exp3A_231 : vector<16xf32>
    %add3A_251 = arith.addf %mul3A_248, %mul3A_250 : vector<16xf32>
    %mul3A_252 = vector.broadcast %squeeze3A_132 : f32 to vector<16xf32>
    %mul3A_253 = arith.mulf %mul3A_252, %exp3A_237 : vector<16xf32>
    %mul3A_254 = vector.broadcast %squeeze3A_134 : f32 to vector<16xf32>
    %mul3A_255 = arith.mulf %mul3A_254, %exp3A_243 : vector<16xf32>
    %add3A_256 = arith.addf %mul3A_253, %mul3A_255 : vector<16xf32>
    %add3A_257 = arith.addf %add3A_251, %add3A_256 : vector<16xf32>
    %mul3A_258 = vector.broadcast %squeeze3A_128 : f32 to vector<16xf32>
    %mul3A_259 = arith.mulf %mul3A_258, %exp3A_228 : vector<16xf32>
    %mul3A_260 = vector.broadcast %squeeze3A_130 : f32 to vector<16xf32>
    %mul3A_261 = arith.mulf %mul3A_260, %exp3A_234 : vector<16xf32>
    %add3A_262 = arith.addf %mul3A_259, %mul3A_261 : vector<16xf32>
    %mul3A_263 = vector.broadcast %squeeze3A_132 : f32 to vector<16xf32>
    %mul3A_264 = arith.mulf %mul3A_263, %exp3A_240 : vector<16xf32>
    %mul3A_265 = vector.broadcast %squeeze3A_134 : f32 to vector<16xf32>
    %mul3A_266 = arith.mulf %mul3A_265, %exp3A_246 : vector<16xf32>
    %add3A_267 = arith.addf %mul3A_264, %mul3A_266 : vector<16xf32>
    %add3A_268 = arith.addf %add3A_262, %add3A_267 : vector<16xf32>
    %mul3A_269 = arith.mulf %gather3A_215, %gather3A_217 : vector<16xf32>
    %mul3A_270 = arith.mulf %mul3A_269, %add3A_257 : vector<16xf32>
    %mul3A_271 = arith.mulf %mul3A_270, %get3A_209 : vector<16xf32>
    %div3A_272 = arith.divf %mul3A_271, %get3A_205 : vector<16xf32>
    %mul3A_273 = arith.mulf %gather3A_216, %gather3A_218 : vector<16xf32>
    %mul3A_274 = arith.mulf %mul3A_273, %add3A_268 : vector<16xf32>
    %mul3A_275 = arith.mulf %mul3A_274, %get3A_211 : vector<16xf32>
    %div3A_276 = arith.divf %mul3A_275, %get3A_207 : vector<16xf32>
    %broadcast_in_dim3A_277 = arith.constant true
    %broadcast_in_dim3A_278 = vector.broadcast %broadcast_in_dim3A_277 : i1 to vector<16xi1>
    %masked_cumsum3A = tpu.scan <sum>, %div3A_272 masked %broadcast_in_dim3A_278 : vector<16xf32>, vector<16xi1> -> vector<16xf32>
    %broadcast_in_dim3A_279 = arith.constant true
    %broadcast_in_dim3A_280 = vector.broadcast %broadcast_in_dim3A_279 : i1 to vector<16xi1>
    %masked_cumsum3A_281 = tpu.scan <sum>, %div3A_276 masked %broadcast_in_dim3A_280 : vector<16xf32>, vector<16xi1> -> vector<16xf32>
    %ne3A = arith.cmpi ne, %get3A_193, %get3A_197 : vector<16xi32>
    %or3A = arith.ori %ne3A, %eq3A_184 : vector<16xi1>
    %ne3A_282 = arith.cmpi ne, %get3A_195, %get3A_199 : vector<16xi32>
    %or3A_283 = arith.ori %ne3A_282, %eq3A_184 : vector<16xi1>
    %ne3A_284 = arith.cmpi ne, %get3A_193, %get3A_197 : vector<16xi32>
    %not3A = arith.constant dense<true> : vector<16xi1>
    %not3A_285 = arith.xori %eq3A_184, %not3A : vector<16xi1>
    %and3A = arith.andi %ne3A_284, %not3A_285 : vector<16xi1>
    %ne3A_286 = arith.cmpi ne, %get3A_195, %get3A_199 : vector<16xi32>
    %not3A_287 = arith.constant dense<true> : vector<16xi1>
    %not3A_288 = arith.xori %eq3A_184, %not3A_287 : vector<16xi1>
    %and3A_289 = arith.andi %ne3A_286, %not3A_288 : vector<16xi1>
    tpu.vector_store_idx %arg13[%get3A_193], %masked_cumsum3A masked %or3A {add = true} : memref<10240xf32, #tpu.memory_space<vmem>>[vector<16xi32>], vector<16xf32>, vector<16xi1>
    %neg3A_290 = arith.constant 0.000000e+00 : f32
    %neg3A_291 = vector.broadcast %neg3A_290 : f32 to vector<16xf32>
    %neg3A_292 = arith.subf %neg3A_291, %masked_cumsum3A : vector<16xf32>
    tpu.vector_store_idx %arg13[%get3A_197], %neg3A_292 masked %and3A {add = true} : memref<10240xf32, #tpu.memory_space<vmem>>[vector<16xi32>], vector<16xf32>, vector<16xi1>
    tpu.vector_store_idx %arg13[%get3A_195], %masked_cumsum3A_281 masked %or3A_283 {add = true} : memref<10240xf32, #tpu.memory_space<vmem>>[vector<16xi32>], vector<16xf32>, vector<16xi1>
    %neg3A_293 = arith.constant 0.000000e+00 : f32
    %neg3A_294 = vector.broadcast %neg3A_293 : f32 to vector<16xf32>
    %neg3A_295 = arith.subf %neg3A_294, %masked_cumsum3A_281 : vector<16xf32>
    tpu.vector_store_idx %arg13[%get3A_199], %neg3A_295 masked %and3A_289 {add = true} : memref<10240xf32, #tpu.memory_space<vmem>>[vector<16xi32>], vector<16xf32>, vector<16xi1>
    "tpu.trace_stop"() : () -> ()
    "tpu.trace_start"() <{level = 10 : i32, message = "writeout"}> : () -> ()
    "tpu.region"() ({
      %run_scoped3A = tpu.sem_alloc : memref<!tpu.dma_semaphore, #tpu.memory_space<semaphore_mem>>
      %dma_start3A_296 = arith.constant 0 : i32
      %dma_start3A_297 = tpu.memref_slice %arg9[%add3A, %dma_start3A_296] : memref<32x10240xf32, #tpu.memory_space<hbm>> -> memref<1x10240xf32, #tpu.memory_space<hbm>>
      %dma_start3A_298 = tpu.memref_squeeze %dma_start3A_297 : memref<1x10240xf32, #tpu.memory_space<hbm>> -> memref<10240xf32, #tpu.memory_space<hbm>>
      %dma_start3A_299 = arith.constant 0 : i32
      %dma_start3A_300 = tpu.memref_slice %arg9[%add3A, %dma_start3A_299] : memref<32x10240xf32, #tpu.memory_space<hbm>> -> memref<1x10240xf32, #tpu.memory_space<hbm>>
      %dma_start3A_301 = tpu.memref_squeeze %dma_start3A_300 : memref<1x10240xf32, #tpu.memory_space<hbm>> -> memref<10240xf32, #tpu.memory_space<hbm>>
      tpu.enqueue_dma source(%arg13 : memref<10240xf32, #tpu.memory_space<vmem>>) target(%dma_start3A_301 : memref<10240xf32, #tpu.memory_space<hbm>>) target_semaphore(%run_scoped3A : memref<!tpu.dma_semaphore, #tpu.memory_space<semaphore_mem>>)
      %dma_wait3A_302 = arith.constant 0 : i32
      %dma_wait3A_303 = tpu.memref_slice %arg9[%add3A, %dma_wait3A_302] : memref<32x10240xf32, #tpu.memory_space<hbm>> -> memref<1x10240xf32, #tpu.memory_space<hbm>>
      %dma_wait3A_304 = tpu.memref_squeeze %dma_wait3A_303 : memref<1x10240xf32, #tpu.memory_space<hbm>> -> memref<10240xf32, #tpu.memory_space<hbm>>
      %dma_wait3A_305 = arith.constant 0 : i32
      %dma_wait3A_306 = tpu.memref_slice %arg9[%add3A, %dma_wait3A_305] : memref<32x10240xf32, #tpu.memory_space<hbm>> -> memref<1x10240xf32, #tpu.memory_space<hbm>>
      %dma_wait3A_307 = tpu.memref_squeeze %dma_wait3A_306 : memref<1x10240xf32, #tpu.memory_space<hbm>> -> memref<10240xf32, #tpu.memory_space<hbm>>
      tpu.wait_dma2 semaphore(%run_scoped3A : memref<!tpu.dma_semaphore, #tpu.memory_space<semaphore_mem>>) src(%arg13 : memref<10240xf32, #tpu.memory_space<vmem>>) dst(%dma_wait3A_307 : memref<10240xf32, #tpu.memory_space<hbm>>)
      tpu.yield
    }) : () -> ()
    "tpu.trace_stop"() : () -> ()
    return
  }
}

module attributes {stable_mosaic.version = 14 : i64} {
  func.func @_reduce_kernel(%arg0: memref<32x10240xf32, #tpu.memory_space<vmem>>, %arg1: memref<1x10000xf32, #tpu.memory_space<vmem>>) attributes {dimension_semantics = [], scalar_prefetch = 0 : i64, scratch_operands = 0 : i64, tpu.core_type = #tpu.core_type<tc>} {
    %get3A = arith.constant 0 : index
    %get3A_0 = arith.constant 0 : index
    %get3A_1 = vector.load %arg0[%get3A, %get3A_0] : memref<32x10240xf32, #tpu.memory_space<vmem>>, vector<32x10240xf32>
    %reduce_sum3A = arith.constant dense<0.000000e+00> : vector<10240xf32>
    %reduce_sum3A_2 = vector.multi_reduction <add>, %get3A_1, %reduce_sum3A [0] : vector<32x10240xf32> to vector<10240xf32>
    %broadcast_in_dim3A = vector.shape_cast %reduce_sum3A_2 : vector<10240xf32> to vector<1x10240xf32>
    %slice3A = vector.extract_strided_slice %broadcast_in_dim3A {offsets = [0, 0], sizes = [1, 10000], strides = [1, 1]} : vector<1x10240xf32> to vector<1x10000xf32>
    %swap3A = arith.constant 0 : index
    %swap3A_3 = arith.constant 0 : index
    %swap3A_4 = vector.load %arg1[%swap3A, %swap3A_3] : memref<1x10000xf32, #tpu.memory_space<vmem>>, vector<1x10000xf32>
    tpu.vector_store %arg1[%swap3A, %swap3A_3], %slice3A {strides = array<i32>} : memref<1x10000xf32, #tpu.memory_space<vmem>>, vector<1x10000xf32>,
    return
  }
}

</mosaic_0001>

<sc_bundles>
// kernel: kernel.4.cloned.1.call-start
scs
__scs_entry_jumppad:
0x0: {  	(pc) =	sbr.rel $0x88, $3  }
0x1: {  	(tag) =	ssettag $0x0;
	lr =	simm.s32 $0x1  }
0x2: {  	[smem:$0x3F98] =	sst lr;
	_ =	strace $0xD0000000  }
0x3: {  	_ = 	snop  }
0x4: {  	_ = 	snop  }
0x5: {  	_ = 	snop  }
0x6: {  	_ = 	snop  }
0x7: {  	_ = 	snop  }
__scs_overlays_trampoline_lowered:
0x8: {  	[smem:$0x3FA7] =	sst s0  }
0x9: {  	[smem:$0x3FA8] =	sst s1  }
0xa: {  	[smem:$0x3FA9] =	sst s2  }
0xb: {  	[smem:$0x3FAA] =	sst s3  }
0xc: {  	[smem:$0x3FAB] =	sst s4  }
0xd: {  	[smem:$0x3FAC] =	sst s5  }
0xe: {  	[smem:$0x3FAD] =	sst s6  }
0xf: {  	[smem:$0x3FAE] =	sst s7  }
0x10: {  	[smem:$0x3FAF] =	sst s8  }
0x11: {  	[smem:$0x3FB0] =	sst s9;
	s0 =	simm.s32 @!p0 $0x0  }
0x12: {  	s1 =	sld [smem:$0x3F96];
	s0 =	simm.s32 @p0 $0x1  }
0x13: {  	[smem:$0x3FB1] =	sst s0;
	s0 =	simm.s32 @!p1 $0x0  }
0x14: {  	s2 =	sld [smem:$0x3F95];
	s0 =	simm.s32 @p1 $0x1  }
0x15: {  	[smem:$0x3FB2] =	sst s0;
	s0 =	simm.s32 @!p2 $0x0  }
0x16: {  	s3 =	sld [smem:$0x3FDB];
	s0 =	simm.s32 @p2 $0x1  }
0x17: {  	s4 =	simm.s32 $0x1BF5;
	[smem:$0x3FB4] =	sst s0  }
0x18: {  	s0 =	sld [smem:$0x3F97];
	_ =	swait.ge [sflag:s4], $0x0  }
0x19: {  	s7 =	sld [smem:$0x3F98]  }
0x1a: {  	s8 =	sadd.s32 $0xFFFFE003, lr  }
0x1b: {  	s9 =	sadd.s32 $0xFFFFFEF7, lr;
	s5 =	simm.s32 $0xFFFFFFFF;
	p2 =	slt.u32 s8, $0xFFFFF086  }
0x1c: {  	p1 =	slt.u32 s9, $0xF7A;
	s5 =	simm.s32 @!p2 $0x0  }
0x1d: {  	s5 =	simm.s32 @p1 $0x1;
	p0 =	seq.s32 s7, s2  }
0x1e: {  	s7 =	smul.u32 @!p0 $0xF7A, s2;
	p2 =	seq.s32 @!p0 s5, $0x0  }
0x1f: {  	s9 =	smul.u32 $0xF7A, s1;
	s8 =	simm.s32 @!p0 $0x1BF5;
	p2 =	por !p2, p0  }
0x20: {  	[sflag:s8] =	ssyncset.s32 @!p0 $0xFFFFF086;
	s6 =	sadd.s32 @!p0 s3, s7;
	s7 =	simm.s32 @!p0 $0x108  }
0x21: {  	s3 =	sadd.s32 s3, s9;
	s6 =	sadd.s32 @!p0 $0x88, s6;
	s7 =	simm.s32 @p2 $0x1082  }
0x22: {  	[simem:s7], [sflag:s8] =	dma.local @!p0 [hbm:s6], $0xF7A  }
0x23: {  	s9 =	sor.u32 $0xD0000000, s2;
	s6 =	simm.s32 $0x108;
	_ =	swait.ge @!p0 [sflag:s8], $0x0  }
0x24: {  	s3 =	sadd.s32 $0x88, s3;
	s6 =	simm.s32 @!p1 $0x1082;
	[sflag:s4] =	ssyncset.s32 $0xFFFFF086  }
0x25: {  	[simem:s6], [sflag:s4] =	dma.local [hbm:s3], $0xF7A  }
0x26: {  	[smem:$0x3F98] =	sst s1;
	(tag) =	ssettag s2;
	_ =	strace s9  }
0x27: {  	s1 =	sld [smem:$0x3FA8]  }
0x28: {  	s2 =	sld [smem:$0x3FA9]  }
0x29: {  	s4 =	sld [smem:$0x3FAB]  }
0x2a: {  	p0 =	seq.s32 s5, $0x0;
	s5 =	sld [smem:$0x3FAC]  }
0x2b: {  	s6 =	sld [smem:$0x3FAD]  }
0x2c: {  	s7 =	sld [smem:$0x3FAE]  }
0x2d: {  	s3 =	simm.s32 $0x108;
	s8 =	sld [smem:$0x3FAF]  }
0x2e: {  	s3 =	simm.s32 @!p0 $0x1082;
	s9 =	sld [smem:$0x3FB0]  }
0x2f: {  	lr =	sadd.s32 s0, s3;
	s0 =	sld [smem:$0x3FA7]  }
0x30: {  	s3 =	sld [smem:$0x3FAA]  }
0x31: {  	[smem:$0x3FB3] =	sst s10  }
0x32: {  	s10 =	sld [smem:$0x3FB1];
	_ =	sdelay $0x3  }
0x33: {  	p0 =	seq.s32 s10, $0x1;
	s10 =	sld [smem:$0x3FB3];
	_ =	sdelay $0x3  }
0x34: {  	[smem:$0x3FB3] =	sst s10  }
0x35: {  	s10 =	sld [smem:$0x3FB2];
	_ =	sdelay $0x3  }
0x36: {  	p1 =	seq.s32 s10, $0x1;
	s10 =	sld [smem:$0x3FB3];
	_ =	sdelay $0x3  }
0x37: {  	[smem:$0x3FB3] =	sst s10  }
0x38: {  	s10 =	sld [smem:$0x3FB4]  }
0x39: {  	_ = 	snop;
	(pc) =	sbr.ind lr, $3  }
0x3a: {  	_ = 	snop  }
0x3b: {  	_ = 	snop  }
0x3c: {  	p2 =	seq.s32 s10, $0x1;
	s10 =	sld [smem:$0x3FB3]  }
0x3d: {  	_ =	shalt  }
0x3e: {  	_ =	shalt  }
0x3f: {  	_ =	shalt  }
0x40: {  	_ =	shalt  }
0x41: {  	_ =	shalt  }
0x42: {  	_ =	shalt  }
0x43: {  	_ =	shalt  }
0x44: {  	_ =	shalt  }
0x45: {  	_ =	shalt  }
0x46: {  	_ =	shalt  }
0x47: {  	_ =	shalt  }
0x48: {  	_ =	shalt  }
0x49: {  	_ =	shalt  }
0x4a: {  	_ =	shalt  }
0x4b: {  	_ =	shalt  }
0x4c: {  	_ =	shalt  }
0x4d: {  	_ =	shalt  }
0x4e: {  	_ =	shalt  }
0x4f: {  	_ =	shalt  }
0x50: {  	_ =	shalt  }
0x51: {  	_ =	shalt  }
0x52: {  	_ =	shalt  }
0x53: {  	_ =	shalt  }
0x54: {  	_ =	shalt  }
0x55: {  	_ =	shalt  }
0x56: {  	_ =	shalt  }
0x57: {  	_ =	shalt  }
0x58: {  	_ =	shalt  }
0x59: {  	_ =	shalt  }
0x5a: {  	_ =	shalt  }
0x5b: {  	_ =	shalt  }
0x5c: {  	_ =	shalt  }
0x5d: {  	_ =	shalt  }
0x5e: {  	_ =	shalt  }
0x5f: {  	_ =	shalt  }
0x60: {  	_ =	shalt  }
0x61: {  	_ =	shalt  }
0x62: {  	_ =	shalt  }
0x63: {  	_ =	shalt  }
0x64: {  	_ =	shalt  }
0x65: {  	_ =	shalt  }
0x66: {  	_ =	shalt  }
0x67: {  	_ =	shalt  }
0x68: {  	_ =	shalt  }
0x69: {  	_ =	shalt  }
0x6a: {  	_ =	shalt  }
0x6b: {  	_ =	shalt  }
0x6c: {  	_ =	shalt  }
0x6d: {  	_ =	shalt  }
0x6e: {  	_ =	shalt  }
0x6f: {  	_ =	shalt  }
0x70: {  	_ =	shalt  }
0x71: {  	_ =	shalt  }
0x72: {  	_ =	shalt  }
0x73: {  	_ =	shalt  }
0x74: {  	_ =	shalt  }
0x75: {  	_ =	shalt  }
0x76: {  	_ =	shalt  }
0x77: {  	_ =	shalt  }
0x78: {  	_ =	shalt  }
0x79: {  	_ =	shalt  }
0x7a: {  	_ =	shalt  }
0x7b: {  	_ =	shalt  }
0x7c: {  	_ =	shalt  }
0x7d: {  	_ =	shalt  }
0x7e: {  	_ =	shalt  }
0x7f: {  	_ =	shalt  }
0x80: {  	_ =	shalt  }
0x81: {  	_ =	shalt  }
0x82: {  	_ =	shalt  }
0x83: {  	_ =	shalt  }
0x84: {  	_ =	shalt  }
0x85: {  	_ =	shalt  }
0x86: {  	_ =	shalt  }
0x87: {  	_ =	shalt  }
.Lfunc_end0:
.L_simem_size_0:
called_computation_lowered:
.L_overlay_start_0:
0x88: {  	s2 =	sld [smem:$0x3FD9]  }
0x89: {  	s3 =	sld [smem:$0x3FFE];
	_ =	sdelay $0x1  }
0x8a: {  	s1 =	srdreg.scid  }
0x8b: {  	s0 =	sand.u32 $0x1, s1  }
0x8c: {  	s17 =	sshll.u32 s0, $0xA;
	s2 =	sadd.s32 s3, s2  }
0x8d: {  	s2 =	sadd.s32 s2, s17  }
0x8e: {  	[smem:$0x3FBF] =	sst s2  }
0x8f: {  	_ = 	snop  }
0x90: {  	s2 =	sld [smem:$0x3FC9]  }
0x91: {  	s18 =	sld [smem:$0x3FC8]  }
0x92: {  	s4 =	sld [smem:$0x3FC7]  }
0x93: {  	s5 =	sld [smem:$0x3FC6]  }
0x94: {  	s6 =	sld [smem:$0x3FC5]  }
0x95: {  	s7 =	sld [smem:$0x3FD0];
	(tm) =	ssettm $0x1  }
0x96: {  	s8 =	sld [smem:$0x3FFB];
	_ =	sdelay $0x3  }
0x97: {  	_ =	strace s8  }
0x98: {  	s8 =	sld [smem:$0x3FFC];
	_ =	sdelay $0x3  }
0x99: {  	_ =	strace s8  }
0x9a: {  	s8 =	sld [smem:$0x3FFD];
	_ =	sdelay $0x3  }
0x9b: {  	_ =	strace s8  }
0x9c: {  	_ =	strace $0x8FFFFFFF  }
0x9d: {  	s19 =	sld [smem:$0x3FDB];
	_ =	sdelay $0x1  }
0x9e: {  	s9 =	simm.s32 $_scs_section_size  }
0x9f: {  	s10 =	simm.s32 $_size__tile_overlayer_lowered;
	s11 =	simm.s32 $_tile_overlayer_lowered  }
0xa0: {  	s22 =	simm.s32 $0x1BFF;
	s21 =	sshll.u32 s11, $0x1;
	s8 =	sadd.s32 s9, s19  }
0xa1: {  	s12 =	simm.s32 $0x0;
	s20 =	sshll.u32 s10, $0x1;
	s10 =	sadd.s32 s21, s8  }
0xa2: {  	[timem:s12], [sflag:s22] =	dma.local [hbm:s10], s20  }
0xa3: {  	_ =	swait.ge [sflag:s22], s20  }
0xa4: {  	s9 =	ssub.s32 $0x0, s20;
	[sflag:s22] =	ssyncset.done $0x0  }
0xa5: {  	[sflag:s22] =	ssyncadd.s32 s9;
	_ =	sdelay $0x1  }
0xa6: {  	s23 =	simm.s32 $0x1B8B  }
0xa7: {  	_ =	swait.ge [sflag:s23], $0x1  }
0xa8: {  	[sflag:s23] =	ssyncset.done $0x0  }
0xa9: {  	s25 =	simm.s32 $0x1B8E;
	s24 =	sld [smem:$0x3FFE];
	[sflag:s23] =	ssyncadd.s32 $0xFFFFFFFF  }
0xaa: {  	s26 =	simm.s32 $execute0_lowered;
	[smem:$0x3FD2] =	sst s25  }
0xab: {  	s10 =	sshll.u32 s26, $0x1;
	_ =	strace $0x80000046;
	[dreg:$0x1] =	wrdreg $0xFFFFFFFF  }
0xac: {  	s28 =	simm.s32 $_size_execute0_lowered;
	s8 =	sadd.s32 s8, s10;
	[dreg:$0x0] =	wrdreg $0x0  }
0xad: {  	s10 =	sshll.u32 s28, $0x1;
	[dreg:$0x2] =	wrdreg s8  }
0xae: {  	[dreg:$0x3] =	wrdreg s10  }
0xaf: {  	[dreg:$0x4] =	wrdreg $0xC0  }
0xb0: {  	_ =	task [dreg:s12], $0x5FFFF  }
0xb1: {  	[dreg:$0x1] =	wrdreg $0xFFFFFFFF  }
0xb2: {  	[dreg:$0x0] =	wrdreg $0x60  }
0xb3: {  	[dreg:$0x2] =	wrdreg s2  }
0xb4: {  	[dreg:$0x3] =	wrdreg s18  }
0xb5: {  	[dreg:$0x4] =	wrdreg s4  }
0xb6: {  	[dreg:$0x5] =	wrdreg s5  }
0xb7: {  	[dreg:$0x6] =	wrdreg s6  }
0xb8: {  	[dreg:$0x7] =	wrdreg s24  }
0xb9: {  	[dreg:$0x8] =	wrdreg s7  }
0xba: {  	[dreg:$0x9] =	wrdreg $0x9  }
0xbb: {  	_ =	task.clear_ibuf [dreg:s12], $0xAFFFF;
	_ =	strace $0x90000046  }
0xbc: {  	s29 =	simm.s32 $0x9;
	_ =	strace $0x8000004D  }
0xbd: {  	_ =	swait.ge [sflag:s29], $0x1  }
0xbe: {  	[sflag:s29] =	ssyncadd.s32 $0xFFFFFFFF  }
0xbf: {  	_ =	strace $0x9000004D  }
0xc0: {  	_ =	sfence  }
0xc1: {  	s30 =	sld [smem:$0x0];
	_ =	sdelay $0x2  }
0xc2: {  	s31 =	sshll.u32 s1, $0xD;
	s1 =	sshrl.u32 s1, $0x2  }
0xc3: {  	s3 =	sand.u32 $0x4000, s31;
	s1 =	sadd.s32 s1, s30  }
0xc4: {  	s0 =	sor.u32 s3, s0;
	s1 =	sshll.u32 s1, $0x11  }
0xc5: {  	s0 =	sor.u32 s1, s0  }
0xc6: {  	s0 =	sadd.s32 $0x8F2B, s0  }
0xc7: {  	[sflag:s0] =	ssyncadd.remote.s32 $0x1  }
0xc8: {  	_ =	sfence.sel $0xFFFF  }
0xc9: {  	[dreg:$0x0] =	wrdreg $0xFFFFFFFF;
	(pc) =	sbr.abs _section_cstart, $3  }
0xca: {  	[dreg:$0x1] =	wrdreg $0xFFFFFFFF  }
0xcb: {  	_ =	task.clear_ibuf [dreg:s12], $0x2FFFF;
	_ =	strace $0x9FFFFFFF  }
0xcc: {  	(tm) =	ssettm $0x7FFFFFFF  }
0xcd: {  	_ =	shalt  }
tec
execute0_lowered:
.L_overlay_start_1:
0x0: {  	(tag) =	ssettag $0x1  }
0x1: {  	s0 =	rddreg [dreg:$0x0]  }
0x2: {  	s6 =	rddreg [dreg:$0x1]  }
0x3: {  	s7 =	rddreg [dreg:$0x2]  }
0x4: {  	s8 =	rddreg [dreg:$0x3]  }
0x5: {  	s9 =	rddreg [dreg:$0x4]  }
0x6: {  	s10 =	rddreg [dreg:$0x5];
	s2 =	srdreg.scid  }
0x7: {  	s1 =	stileid.u32;
	s3 =	rddreg [dreg:$0x6]  }
0x8: {  	s15 =	simm.s32 $0xEE80;
	s16 =	simm.s32 $0x13D00;
	s17 =	simm.s32 $0x18B80  }
0x9: {  	s18 =	simm.s32 $0x1;
	s19 =	simm.s32 $0x2;
	s20 =	simm.s32 $0x2800  }
0xa: {  	s21 =	simm.s32 $0x5000;
	s22 =	simm.s32 $0x7800;
	s23 =	simm.s32 $0x80  }
0xb: {  	s24 =	simm.s32 $0x400;
	s25 =	simm.s32 $0x3;
	s26 =	simm.s32 $0x0  }
0xc: {  	s5 =	sand.u32 $0x1, s2;
	s4 =	sshll.u32 s1, $0x1;
	s12 =	sshrl.u32 s1, $0x2  }
0xd: {  	s11 =	sor.u32 s5, s4;
	s4 =	simm.s32 $0x0;
	s12 =	smul.u32 $0x14000, s12  }
0xe: {  	s30 =	ssub.s32 $0x2, s5;
	s5 =	sadd.s32 $0x400, s10;
	s13 =	sshll.u32 s11, $0x7  }
0xf: {  	[smem:$0x7FF] =	sst s4;
	s14 =	sshrl.u32 s30, $0x1;
	s11 =	smul.u32 $0x9C4, s11  }
0x10: {  	s13 =	sand.u32 $0x380, s13;
	_ =	strace $0x80000047;
	s31 =	ssub.s32 s30, s14  }
0x11: {  	s14 =	simm.s32 $0xA000;
	s12 =	sor.u32 s12, s13;
	s6 =	sadd.s32 s6, s11  }
0x12: {  	vm8 =	vmmov $0x7fff;
	v2 =	vimm.s32 $0x0;
	s7 =	sadd.s32 s7, s11;
	s8 =	sadd.s32 s8, s11;
	s12 =	sshrl.u32 s12, $0x3  }
0x13: {  	v2 =	vsel vm8, $0xFFFFFFFF, v2;
	s9 =	sadd.s32 s9, s11;
	s11 =	smax.u32 s31, $0x1;
	s10 =	sadd.s32 s12, s10  }
0x14: {  	v0 =	vimm.s32 $0x0;
	v1 =	vimm.f32 $0.0e+00;
	[tilespmem:$0x1FFF0] =	vst v2;
	s13 =	simm.s32 $0x1DA00;
	s12 =	simm.s32 $0x1DA80;
	s10 =	sadd.s32 $0x600, s10  }
.LBB2_1:
0x15: {  	[tilespmem:s12], [sflag:$0x1] =	stream.linear.gather [hbm4b:s5+s4], $0x80, $0x38;
	[tilespmem:$0x1DB00] =	vst v63  }
0x16: {  	_ = 	snop  }
0x17: {  	[tilespmem:s13], [sflag:$0x1] =	stream.linear.gather [hbm4b:s3+s4], $0x80, $0x38;
	[tilespmem:$0x1DB00] =	vst v63  }
0x18: {  	_ = 	snop  }
0x19: {  	[tilespmem:s4], [sflag:$0x1] =	stream.linear.gather [hbm4b:s0+s4], $0x2710, $0x38;
	[tilespmem:$0x1DB00] =	vst v63  }
0x1a: {  	_ = 	snop  }
0x1b: {  	[tilespmem:s14], [sflag:$0x2] =	stream.linear.gather [hbm4b:s6+s4], $0x4E20, $0x38;
	[tilespmem:$0x1DB00] =	vst v63  }
0x1c: {  	_ = 	snop  }
0x1d: {  	[tilespmem:s15], [sflag:$0x2] =	stream.linear.gather [hbm4b:s7+s4], $0x4E20, $0x38;
	[tilespmem:$0x1DB00] =	vst v63  }
0x1e: {  	_ = 	snop  }
0x1f: {  	[tilespmem:s16], [sflag:$0x2] =	stream.linear.gather [hbm4b:s8+s4], $0x4E20, $0x38;
	[tilespmem:$0x1DB00] =	vst v63  }
0x20: {  	_ = 	snop  }
0x21: {  	[tilespmem:s17], [sflag:$0x2] =	stream.linear.gather [hbm4b:s9+s4], $0x4E20, $0x38;
	[tilespmem:$0x1DB00] =	vst v63  }
0x22: {  	_ =	strace $0x80000048  }
0x23: {  	_ =	swait.ge [sflag:s18], $0x80  }
0x24: {  	[sflag:s18] =	ssyncset.done $0x0  }
0x25: {  	[sflag:s18] =	ssyncadd.s32 $0xFFFFFF80  }
0x26: {  	_ =	swait.ge [sflag:s18], $0x80  }
0x27: {  	[sflag:s18] =	ssyncset.done $0x0  }
0x28: {  	[sflag:s18] =	ssyncadd.s32 $0xFFFFFF80  }
0x29: {  	_ =	swait.ge [sflag:s18], $0x2710  }
0x2a: {  	[sflag:s18] =	ssyncset.done $0x0  }
0x2b: {  	[sflag:s18] =	ssyncadd.s32 $0xFFFFD8F0  }
0x2c: {  	_ =	strace $0x90000048  }
0x2d: {  	v3 =	vld [tilespmem:$0x1DA80];
	_ =	sdelay $0x4  }
0x2e: {  	(v2sf) =	vpush v3, $0x0;
	_ =	sdelay $0xd  }
0x2f: {  	(v2sf) =	vpush v3, $0x1  }
0x30: {  	[tilespmem:$0x2710] =	vst v0;
	s28 =	spop (v2sf)  }
0x31: {  	[tilespmem:$0x2720] =	vst v0;
	s28 =	sand.u32 $0x7FFFFFFF, s28  }
0x32: {  	[tilespmem:$0x2730] =	vst v0;
	s28 =	smul.f32 $5.291771890e-01, s28  }
0x33: {  	[tilespmem:$0x2740] =	vst v0  }
0x34: {  	[tilespmem:$0x2750] =	vst v0;
	v2 =	vmov s28  }
0x35: {  	[tilespmem:$0x2760] =	vst v0;
	(erf) = vrcp.f32 v2  }
0x36: {  	[tilespmem:$0x2770] =	vst v0  }
0x37: {  	[tilespmem:$0x2780] =	vst v0  }
0x38: {  	[tilespmem:$0x2790] =	vst v0  }
0x39: {  	[tilespmem:$0x27A0] =	vst v0  }
0x3a: {  	[tilespmem:$0x27B0] =	vst v0  }
0x3b: {  	[tilespmem:$0x27C0] =	vst v0  }
0x3c: {  	[tilespmem:$0x27D0] =	vst v0  }
0x3d: {  	[tilespmem:$0x27E0] =	vst v0  }
0x3e: {  	[tilespmem:$0x27F0] =	vst v0;
	s30 =	spop (v2sf);
	v2 =	vpop (erf)  }
0x3f: {  	s29 =	simm.s32 $0x0;
	_ =	strace $0x80000049  }
0x40: {  	v5 =	vld [tilespmem:s29+$0x0]  }
0x41: {  	v7 =	vld [tilespmem:s29+$0x40]  }
0x42: {  	v6 =	vld [tilespmem:s29+$0x70]  }
0x43: {  	v14 =	vld [tilespmem:s29+$0x10]  }
0x44: {  	v15 =	vld [tilespmem:s29+$0x20]  }
0x45: {  	v8 =	vld [tilespmem:s29+$0x30]  }
0x46: {  	v20 =	vld [tilespmem:s29+$0x60]  }
0x47: {  	s30 =	sand.u32 $0x7FFFFFFF, s30;
	s28 =	simm.s32 $0x80;
	v19 =	vld [tilespmem:s29+$0x50]  }
0x48: {  	v4 =	vmov s30;
	v10 =	vld [tilespmem:s28+$0x0];
	vm2 =	vgt.s32 v7, $0x0  }
0x49: {  	v9 =	vld [tilespmem:s28+$0x40];
	vm3 =	vgt.s32 v5, $0x0;
	vm5 =	vgt.s32 v14, $0x0;
	v13 =	vnsel vm2, $0x0, v7  }
0x4a: {  	vm0 =	vgt.s32 v6, $0x0;
	v16 =	vnsel vm5, $0x0, v14;
	v17 =	vcvt.s32.f32 v13;
	v13 =	vld [tilespmem:s28+$0x10]  }
0x4b: {  	vm1 =	vgt.s32 v15, $0x0;
	vm6 =	vgt.s32 v8, $0x0;
	v23 =	vcvt.s32.f32 v16;
	v16 =	vld [tilespmem:s28+$0x20]  }
0x4c: {  	vm4 =	vgt.s32 v20, $0x0;
	vm7 =	vgt.s32 v19, $0x0;
	v18 =	vnsel vm1, $0x0, v15;
	v15 =	vld.idx.msk [tilespmem:v15+s13+$0x0], $0xffff  }
0x4d: {  	v12 =	vnsel vm3, $0x0, v5;
	v22 =	vnsel vm0, $0x0, v6;
	v25 =	vnsel vm4, $0x0, v20;
	v26 =	vld.idx.msk [tilespmem:v14+s13+$0x0], $0xffff  }
0x4e: {  	v27 =	vnsel vm7, $0x0, v19;
	vm1 =	vmmov vm1;
	vm15 =	vmmov vm5;
	v20 =	vld.idx.msk [tilespmem:v20+s13+$0x0], $0xffff  }
0x4f: {  	vm13 =	vmmov vm6;
	v24 =	vcvt.s32.f32 v18;
	v18 =	vnsel vm6, $0x0, v8;
	v19 =	vld.idx.msk [tilespmem:v19+s13+$0x0], $0xffff  }
0x50: {  	vm12 =	vmmov vm3;
	v28 =	vcvt.s32.f32 v18;
	v18 =	vcvt.s32.f32 v25;
	v25 =	vld.idx.msk [tilespmem:v5+s13+$0x0], $0xffff  }
0x51: {  	vm5 =	vgt.s32 v9, $0x0;
	v21 =	vcvt.s32.f32 v12;
	vm6 =	vgt.s32 v10, $0x0;
	v8 =	vld.idx.msk [tilespmem:v8+s13+$0x0], $0xffff  }
0x52: {  	v27 =	vcvt.s32.f32 v27;
	v14 =	vnsel vm5, $0x0, v9;
	v5 =	vnsel vm6, $0x0, v10;
	v30 =	vld.idx.msk [tilespmem:v6+s13+$0x0], $0xffff  }
0x53: {  	v11 =	vld [tilespmem:s28+$0x70];
	vm0 =	vmmov vm0;
	v5 =	vcvt.s32.f32 v5;
	v14 =	vcvt.s32.f32 v14  }
0x54: {  	vm3 =	vmmov vm2;
	v12 =	vld [tilespmem:s28+$0x30];
	v15 =	vmul.f32 v15, v4;
	v31 =	vmul.f32 v20, v4  }
0x55: {  	v63 =	vld.idx.msk [tilespmem:v7+s13+$0x0], $0xffff;
	[tilespmem:s29+$0x5000] =	vst v21;
	vm8 =	vgt.s32 v13, $0x0;
	v21 =	vmul.f32 v26, v4;
	v19 =	vmul.f32 v19, v4  }
0x56: {  	vm9 =	vgt.s32 v16, $0x0;
	v8 =	vmul.f32 v8, v4;
	v25 =	vmul.f32 v25, v4  }
0x57: {  	v29 =	vnsel vm8, $0x0, v13;
	v26 =	vmul.f32 v30, v4;
	v15 =	vmul.f32 $1.442695020e+00, v15  }
0x58: {  	v7 =	vnsel vm9, $0x0, v16;
	v20 =	vld [tilespmem:s28+$0x50];
	[tilespmem:s29+$0x5050] =	vst v27;
	v6 =	vcvt.s32.f32 v29;
	v21 =	vmul.f32 $1.442695020e+00, v21  }
0x59: {  	vm2 =	vmmov vm7;
	[tilespmem:s29+$0x7850] =	vst v1;
	v7 =	vcvt.s32.f32 v7;
	(erf) = vpow2.f32 v15  }
0x5a: {  	vm4 =	vmmov vm4;
	[tilespmem:s29+$0x7800] =	vst v1;
	v15 =	vmul.f32 $1.442695020e+00, v8;
	(erf) = vpow2.f32 v21  }
0x5b: {  	vm7 =	vgt.s32 v11, $0x0;
	v25 =	vmul.f32 $1.442695020e+00, v25;
	v27 =	vmul.f32 $1.442695020e+00, v19;
	v21 =	vld [tilespmem:s28+$0x60];
	[tilespmem:s29+$0x5010] =	vst v23  }
0x5c: {  	vm10 =	vgt.s32 v12, $0x0;
	v23 =	vmul.f32 v63, v4;
	[tilespmem:s29+$0x7810] =	vst v1;
	(erf) = vpow2.f32 v15  }
0x5d: {  	v26 =	vmul.f32 $1.442695020e+00, v26;
	v8 =	vnsel vm7, $0x0, v11;
	[tilespmem:s29+$0x5020] =	vst v24;
	v24 =	vcvt.s32.f32 v22  }
0x5e: {  	vm11 =	vgt.s32 v20, $0x0;
	[tilespmem:s29+$0x7820] =	vst v1;
	v29 =	vmul.f32 $1.442695020e+00, v23;
	(erf) = vpow2.f32 v25  }
0x5f: {  	[tilespmem:s29+$0x5030] =	vst v28;
	v15 =	vnsel vm10, $0x0, v12;
	v19 =	vnsel vm11, $0x0, v20;
	(erf) = vpow2.f32 v26  }
0x60: {  	[tilespmem:s29+$0x7830] =	vst v1;
	v23 =	vmul.f32 $1.442695020e+00, v31;
	(erf) = vpow2.f32 v29;
	vm14 =	vgt.s32 v21, $0x0  }
0x61: {  	s30 =	simm.s32 $0x400;
	[tilespmem:s29+$0x7840] =	vst v1;
	v15 =	vcvt.s32.f32 v15;
	(erf) = vpow2.f32 v27;
	v22 =	vnsel vm14, $0x0, v21  }
.LBB2_2:
0x62: {  	p0 =	sne.s32 s30, $0x9E00;
	[tilespmem:s29+$0x5060] =	vst v18;
	v18 =	vcvt.s32.f32 v22;
	v22 =	vpop (erf);
	(erf) = vpow2.f32 v23;
	s31 =	smov.u32 s30;
	s30 =	sadd.s32 $0x200, s30  }
0x63: {  	v25 =	vmul.f32 v22, v2;
	[tilespmem:s29+$0x5070] =	vst v24;
	v23 =	vpop (erf)  }
0x64: {  	v23 =	vmul.f32 v23, v2;
	[tilespmem:s29+$0x5040] =	vst v17;
	v17 =	vmov v14  }
0x65: {  	s31 =	sshra.s32 s31, $0x2;
	v26 =	vnsel vm1, $0x0, v25;
	[tilespmem:s29+$0x7870] =	vst v1;
	v22 =	vpop (erf);
	vm1 =	vmmov vm9  }
0x66: {  	v24 =	vld [tilespmem:s31+$0x0];
	v29 =	vmul.f32 v22, v2;
	v27 =	vnsel vm15, $0x0, v23;
	[tilespmem:s29+$0x2820] =	vst v26;
	vm15 =	vmmov vm8  }
0x67: {  	v25 =	vld [tilespmem:s31+$0x40];
	[tilespmem:s29+$0x2810] =	vst v27;
	v14 =	vpop (erf)  }
0x68: {  	v14 =	vmul.f32 v14, v2;
	v26 =	vnsel vm13, $0x0, v29;
	[tilespmem:s29+$0x7860] =	vst v1;
	v23 =	vpop (erf);
	vm13 =	vmmov vm10  }
0x69: {  	v28 =	vmul.f32 v23, v2;
	[tilespmem:s29+$0x2830] =	vst v26;
	v22 =	vpop (erf)  }
0x6a: {  	v26 =	vld [tilespmem:s31+$0x70];
	v22 =	vmul.f32 v22, v2;
	v14 =	vnsel vm12, $0x0, v14;
	v27 =	vpop (erf);
	vm12 =	vmmov vm6  }
0x6b: {  	v27 =	vmul.f32 v27, v2;
	[tilespmem:s29+$0x2800] =	vst v14;
	v14 =	vnsel vm0, $0x0, v28;
	v23 =	vpop (erf);
	vm0 =	vmmov vm7  }
0x6c: {  	v23 =	vmul.f32 v23, v2;
	v22 =	vnsel vm3, $0x0, v22;
	[tilespmem:s29+$0x2870] =	vst v14;
	vm3 =	vmmov vm5  }
0x6d: {  	v28 =	vld [tilespmem:s31+$0x30];
	[tilespmem:s29+$0x2840] =	vst v22;
	v14 =	vnsel vm2, $0x0, v27;
	vm2 =	vmmov vm11  }
0x6e: {  	vm5 =	vgt.s32 v25, $0x0;
	v22 =	vld [tilespmem:s31+$0x10];
	[tilespmem:s29+$0x2850] =	vst v14;
	v14 =	vnsel vm4, $0x0, v23;
	vm4 =	vmmov vm14  }
0x6f: {  	v27 =	vnsel vm5, $0x0, v25;
	v23 =	vld [tilespmem:s31+$0x20];
	[tilespmem:s29+$0x2860] =	vst v14;
	s29 =	smov.u32 s28;
	s28 =	smov.u32 s31  }
0x70: {  	v29 =	vld.idx.msk [tilespmem:v16+s13+$0x0], $0xffff  }
0x71: {  	vm6 =	vgt.s32 v24, $0x0;
	v30 =	vld.idx.msk [tilespmem:v13+s13+$0x0], $0xffff  }
0x72: {  	v14 =	vnsel vm6, $0x0, v24;
	v21 =	vld.idx.msk [tilespmem:v21+s13+$0x0], $0xffff  }
0x73: {  	vm7 =	vgt.s32 v26, $0x0;
	v20 =	vld.idx.msk [tilespmem:v20+s13+$0x0], $0xffff;
	v13 =	vmov v22  }
0x74: {  	v22 =	vcvt.s32.f32 v14;
	v31 =	vld.idx.msk [tilespmem:v10+s13+$0x0], $0xffff;
	v10 =	vmov v24;
	v16 =	vmov v23  }
0x75: {  	v14 =	vcvt.s32.f32 v27;
	vm8 =	vgt.s32 v13, $0x0;
	v23 =	vld.idx.msk [tilespmem:v12+s13+$0x0], $0xffff;
	v12 =	vmov v28  }
0x76: {  	v27 =	vnsel vm7, $0x0, v26;
	v24 =	vnsel vm8, $0x0, v13;
	v28 =	vld.idx.msk [tilespmem:v11+s13+$0x0], $0xffff;
	v11 =	vmov v26  }
0x77: {  	v19 =	vcvt.s32.f32 v19;
	vm9 =	vgt.s32 v16, $0x0;
	v24 =	vcvt.s32.f32 v24  }
0x78: {  	v29 =	vmul.f32 v29, v4;
	v26 =	vnsel vm9, $0x0, v16;
	v32 =	vmul.f32 v21, v4  }
0x79: {  	vm10 =	vgt.s32 v12, $0x0;
	v21 =	vmul.f32 v30, v4;
	v30 =	vmul.f32 v20, v4;
	v33 =	vld.idx.msk [tilespmem:v9+s13+$0x0], $0xffff;
	v9 =	vmovc v25  }
0x7a: {  	v29 =	vmul.f32 $1.442695020e+00, v29;
	v25 =	vcvt.s32.f32 v26;
	v26 =	vnsel vm10, $0x0, v12;
	[tilespmem:s29+$0x5000] =	vst v5;
	v5 =	vmovc v22  }
0x7b: {  	v21 =	vmul.f32 $1.442695020e+00, v21;
	v22 =	vmul.f32 v23, v4;
	v20 =	vld [tilespmem:s28+$0x50];
	[tilespmem:s29+$0x5050] =	vst v19  }
0x7c: {  	v19 =	vmul.f32 v31, v4;
	[tilespmem:s29+$0x7850] =	vst v1;
	(erf) = vpow2.f32 v29  }
0x7d: {  	v22 =	vmul.f32 $1.442695020e+00, v22;
	[tilespmem:s29+$0x7800] =	vst v1;
	(erf) = vpow2.f32 v21  }
0x7e: {  	v23 =	vmul.f32 $1.442695020e+00, v19;
	v19 =	vmul.f32 v28, v4;
	v21 =	vld [tilespmem:s28+$0x60];
	[tilespmem:s29+$0x5010] =	vst v6;
	v6 =	vmov v24  }
0x7f: {  	v24 =	vmul.f32 v33, v4;
	[tilespmem:s29+$0x7810] =	vst v1;
	(erf) = vpow2.f32 v22  }
.Ltmp0:
0x80: {  	v28 =	vmul.f32 $1.442695020e+00, v30;
	v22 =	vmul.f32 $1.442695020e+00, v19;
	vm11 =	vgt.s32 v20, $0x0;
	[tilespmem:s29+$0x5020] =	vst v7;
	v7 =	vmovc v25;
	(pc) =	sbr.rel @p0 .LBB2_2-.Ltmp0, $4  }
0x81: {  	v25 =	vmul.f32 $1.442695020e+00, v24;
	v19 =	vnsel vm11, $0x0, v20;
	[tilespmem:s29+$0x7820] =	vst v1;
	(erf) = vpow2.f32 v23  }
0x82: {  	v23 =	vmul.f32 $1.442695020e+00, v32;
	[tilespmem:s29+$0x5030] =	vst v15;
	(erf) = vpow2.f32 v22  }
0x83: {  	v24 =	vcvt.s32.f32 v8;
	v8 =	vmovc v27;
	vm14 =	vgt.s32 v21, $0x0;
	[tilespmem:s29+$0x7830] =	vst v1;
	(erf) = vpow2.f32 v25  }
0x84: {  	v15 =	vcvt.s32.f32 v26;
	v22 =	vnsel vm14, $0x0, v21;
	[tilespmem:s29+$0x7840] =	vst v1;
	(erf) = vpow2.f32 v28  }
0x85: {  	(erf) = vpow2.f32 v23  }
0x86: {  	[tilespmem:s29+$0x5060] =	vst v18  }
0x87: {  	v43 =	vpop (erf);
	[tilespmem:s29+$0x5070] =	vst v24  }
0x88: {  	[tilespmem:s29+$0x5040] =	vst v17;
	v18 =	vmul.f32 v43, v2;
	v44 =	vpop (erf)  }
0x89: {  	[tilespmem:s29+$0x7870] =	vst v1;
	v23 =	vmul.f32 v44, v2;
	v46 =	vpop (erf)  }
0x8a: {  	[tilespmem:s29+$0x7860] =	vst v1;
	v45 =	vnsel vm1, $0x0, v18;
	v18 =	vmul.f32 v46, v2;
	v47 =	vpop (erf)  }
0x8b: {  	v23 =	vnsel vm15, $0x0, v23;
	[tilespmem:s29+$0x2820] =	vst v45;
	v17 =	vmul.f32 v47, v2;
	v48 =	vpop (erf)  }
0x8c: {  	[tilespmem:s29+$0x2810] =	vst v23;
	v18 =	vnsel vm13, $0x0, v18;
	v23 =	vmul.f32 v48, v2;
	v49 =	vpop (erf)  }
0x8d: {  	[tilespmem:s29+$0x2830] =	vst v18;
	v17 =	vnsel vm12, $0x0, v17;
	v50 =	vmul.f32 v49, v2;
	v51 =	vpop (erf)  }
0x8e: {  	v23 =	vnsel vm0, $0x0, v23;
	v24 =	vmul.f32 v51, v2;
	[tilespmem:s29+$0x2800] =	vst v17;
	v52 =	vpop (erf)  }
0x8f: {  	(v2sf) =	vpush v3, $0x2;
	v18 =	vnsel vm3, $0x0, v50;
	v17 =	vmul.f32 v52, v2;
	[tilespmem:s29+$0x2870] =	vst v23  }
0x90: {  	(v2sf) =	vpush v3, $0x3;
	v53 =	vnsel vm2, $0x0, v24;
	[tilespmem:s29+$0x2840] =	vst v18  }
0x91: {  	(v2sf) =	vpush v3, $0x4;
	v17 =	vnsel vm4, $0x0, v17;
	[tilespmem:s29+$0x2850] =	vst v53  }
0x92: {  	(v2sf) =	vpush v3, $0x5;
	[tilespmem:s29+$0x2860] =	vst v17  }
0x93: {  	v16 =	vld.idx.msk [tilespmem:v16+s13+$0x0], $0xffff  }
0x94: {  	v13 =	vld.idx.msk [tilespmem:v13+s13+$0x0], $0xffff  }
0x95: {  	v17 =	vld.idx.msk [tilespmem:v21+s13+$0x0], $0xffff  }
0x96: {  	v18 =	vld.idx.msk [tilespmem:v20+s13+$0x0], $0xffff  }
0x97: {  	v12 =	vld.idx.msk [tilespmem:v12+s13+$0x0], $0xffff  }
0x98: {  	v10 =	vld.idx.msk [tilespmem:v10+s13+$0x0], $0xffff  }
0x99: {  	v11 =	vld.idx.msk [tilespmem:v11+s13+$0x0], $0xffff  }
0x9a: {  	v54 =	vbroadcast v3, $0x4;
	v55 =	vbroadcast v3, $0x5;
	v9 =	vld.idx.msk [tilespmem:v9+s13+$0x0], $0xffff  }
0x9b: {  	v57 =	vbroadcast v3, $0x2;
	v16 =	vmul.f32 v16, v4  }
0x9c: {  	v17 =	vmul.f32 v17, v4;
	v13 =	vmul.f32 v13, v4  }
0x9d: {  	v18 =	vmul.f32 v18, v4;
	v12 =	vmul.f32 v12, v4  }
0x9e: {  	s29 =	spop (v2sf);
	v10 =	vmul.f32 v10, v4;
	v11 =	vmul.f32 v11, v4  }
0x9f: {  	vm15 =	vcmask $0x3F08;
	s30 =	spop (v2sf);
	v4 =	vmul.f32 v9, v4;
	v16 =	vmul.f32 $1.442695020e+00, v16  }
0xa0: {  	vm13 =	vcmask $0x3F0C;
	s31 =	spop (v2sf);
	v9 =	vbroadcast v3, $0x3;
	v13 =	vmul.f32 $1.442695020e+00, v13  }
0xa1: {  	v56 =	vsel vm13, v55, v54;
	s2 =	spop (v2sf);
	v12 =	vmul.f32 $1.442695020e+00, v12;
	(erf) = vpow2.f32 v16  }
0xa2: {  	vm12 =	vcmask $0x3F04;
	s29 =	smax.f32 s29, s30;
	s2 =	smax.f32 s31, s2;
	v10 =	vmul.f32 $1.442695020e+00, v10;
	(erf) = vpow2.f32 v13  }
0xa3: {  	s2 =	smax.f32 s29, s2;
	v11 =	vmul.f32 $1.442695020e+00, v11;
	v9 =	vsel vm15, v56, v9;
	(erf) = vpow2.f32 v12  }
0xa4: {  	v9 =	vsel vm12, v9, v57;
	(erf) = vpow2.f32 v10;
	v10 =	vmov s2  }
0xa5: {  	v4 =	vmul.f32 $1.442695020e+00, v4;
	v58 =	vmul.f32 $1.442695020e+00, v18;
	v9 =	vsub.f32 v9, v10  }
0xa6: {  	(erf) = vpow2.f32 v11;
	v10 =	vmul.f32 $1.442695020e+00, v17  }
0xa7: {  	(erf) = vpow2.f32 v4;
	v4 =	vmul.f32 $1.442695020e+00, v9  }
0xa8: {  	(erf) = vpow2.f32 v58  }
0xa9: {  	(erf) = vpow2.f32 v10  }
0xaa: {  	(erf) = vpow2.f32 v4  }
0xab: {  	v4 =	vpop (erf)  }
0xac: {  	v9 =	vpop (erf)  }
0xad: {  	v10 =	vpop (erf)  }
0xae: {  	v11 =	vpop (erf)  }
0xaf: {  	v59 =	vpop (erf)  }
0xb0: {  	v60 =	vpop (erf)  }
0xb1: {  	v61 =	vpop (erf)  }
0xb2: {  	v62 =	vpop (erf)  }
0xb3: {  	v63 =	vpop (erf)  }
0xb4: {  	(v2sf) =	vpush v63, $0x0  }
0xb5: {  	(v2sf) =	vpush v63, $0x1;
	_ =	sdelay $0x1  }
0xb6: {  	(v2sf) =	vpush v63, $0x2;
	_ =	sdelay $0x1  }
0xb7: {  	(v2sf) =	vpush v63, $0x3;
	_ =	sdelay $0x3  }
0xb8: {  	v19 =	vcvt.s32.f32 v19  }
0xb9: {  	[tilespmem:s28+$0x5000] =	vst v5  }
0xba: {  	[tilespmem:s28+$0x5050] =	vst v19  }
0xbb: {  	[tilespmem:s28+$0x7850] =	vst v1  }
0xbc: {  	[tilespmem:s28+$0x7800] =	vst v1  }
0xbd: {  	[tilespmem:s28+$0x5010] =	vst v6  }
0xbe: {  	[tilespmem:s28+$0x7810] =	vst v1;
	(v2sf) =	vpush v3, $0x6;
	s31 =	spop (v2sf)  }
0xbf: {  	[tilespmem:s28+$0x5020] =	vst v7;
	(v2sf) =	vpush v3, $0x7;
	s30 =	spop (v2sf)  }
0xc0: {  	[tilespmem:s28+$0x7820] =	vst v1;
	(v2sf) =	vpush v3, $0x8;
	s2 =	sadd.f32 s30, s31  }
0xc1: {  	[tilespmem:s28+$0x5030] =	vst v15;
	s31 =	spop (v2sf);
	(v2sf) =	vpush v3, $0x9  }
0xc2: {  	[tilespmem:s28+$0x7830] =	vst v1;
	s2 =	sadd.f32 s2, s31  }
0xc3: {  	v5 =	vcvt.s32.f32 v8;
	[tilespmem:s28+$0x7840] =	vst v1;
	s30 =	spop (v2sf)  }
0xc4: {  	[tilespmem:s28+$0x5040] =	vst v14;
	v3 =	vcvt.s32.f32 v22;
	s2 =	sadd.f32 s2, s30  }
0xc5: {  	vm13 =	vmmov vm9;
	[tilespmem:s28+$0x5070] =	vst v5  }
0xc6: {  	vm15 =	vmmov vm8;
	[tilespmem:s28+$0x5060] =	vst v3;
	v3 =	vmul.f32 v4, v2;
	v5 =	vmov s2  }
0xc7: {  	[tilespmem:s28+$0x7870] =	vst v1;
	vm12 =	vmmov vm10;
	v4 =	vmul.f32 v9, v2;
	(erf) = vrcp.f32 v5  }
0xc8: {  	[tilespmem:s28+$0x7860] =	vst v1;
	v6 =	vmul.f32 v61, v2;
	v3 =	vnsel vm13, $0x0, v3;
	v5 =	vmul.f32 v10, v2  }
0xc9: {  	v4 =	vnsel vm15, $0x0, v4;
	vm13 =	vmmov vm6;
	[tilespmem:s28+$0x2820] =	vst v3;
	v3 =	vmul.f32 v11, v2  }
0xca: {  	vm15 =	vmmov vm7;
	[tilespmem:s28+$0x2810] =	vst v4;
	v4 =	vnsel vm12, $0x0, v5;
	v5 =	vmul.f32 v59, v2  }
0xcb: {  	v3 =	vnsel vm13, $0x0, v3;
	[tilespmem:s28+$0x2830] =	vst v4;
	v4 =	vmul.f32 v60, v2;
	v2 =	vmul.f32 v62, v2  }
0xcc: {  	[tilespmem:s28+$0x2800] =	vst v3;
	vm12 =	vmmov vm5;
	v5 =	vnsel vm15, $0x0, v5;
	vm15 =	vmmov vm14  }
0xcd: {  	s2 =	spop (v2sf);
	vm13 =	vmmov vm11;
	v3 =	vnsel vm12, $0x0, v4;
	[tilespmem:s28+$0x2870] =	vst v5;
	v2 =	vnsel vm15, $0x0, v2  }
0xce: {  	v4 =	vnsel vm13, $0x0, v6;
	s29 =	spop (v2sf);
	[tilespmem:s28+$0x2840] =	vst v3  }
0xcf: {  	[tilespmem:s28+$0x2850] =	vst v4;
	s31 =	spop (v2sf)  }
0xd0: {  	[tilespmem:s28+$0x2860] =	vst v2;
	s28 =	spop (v2sf);
	v2 =	vpop (erf)  }
0xd1: {  	_ =	strace $0x90000049  }
0xd2: {  	_ =	strace $0x8000004A  }
0xd3: {  	_ =	swait.ge [sflag:s19], $0x4E20  }
0xd4: {  	[sflag:s19] =	ssyncset.done $0x0  }
0xd5: {  	[sflag:s19] =	ssyncadd.s32 $0xFFFFB1E0  }
0xd6: {  	_ =	swait.ge [sflag:s19], $0x4E20  }
0xd7: {  	[sflag:s19] =	ssyncset.done $0x0  }
0xd8: {  	[sflag:s19] =	ssyncadd.s32 $0xFFFFB1E0  }
0xd9: {  	_ =	swait.ge [sflag:s19], $0x4E20  }
0xda: {  	[sflag:s19] =	ssyncset.done $0x0  }
0xdb: {  	[sflag:s19] =	ssyncadd.s32 $0xFFFFB1E0  }
0xdc: {  	_ =	swait.ge [sflag:s19], $0x4E20  }
0xdd: {  	[sflag:s19] =	ssyncset.done $0x0  }
0xde: {  	[sflag:s19] =	ssyncadd.s32 $0xFFFFB1E0  }
0xdf: {  	s2 =	sand.u32 $0x7FFFFFFF, s2;
	_ =	strace $0x9000004A;
	[tilespmem:$0xEE20] =	vst v0  }
0xe0: {  	s2 =	ssub.f32 $0.0e+00, s2;
	s29 =	sand.u32 $0x7FFFFFFF, s29;
	_ =	strace $0x8000004B  }
0xe1: {  	s29 =	ssub.f32 $0.0e+00, s29;
	s30 =	sand.u32 $0x7FFFFFFF, s31;
	v2 =	vmul.f32 $2.645885940e-01, v2;
	v10 =	vld [tilespmem:$0x1FFF0]  }
0xe2: {  	s30 =	ssub.f32 $0.0e+00, s30;
	s28 =	sand.u32 $0x7FFFFFFF, s28  }
0xe3: {  	vm7 =	vcmask $0x3F3C;
	s28 =	ssub.f32 $0.0e+00, s28;
	v4 =	vmul.f32 v2, v63  }
0xe4: {  	v9 =	vmov s2;
	v8 =	vmov s29;
	v7 =	vmov s30  }
0xe5: {  	v6 =	vmov s28;
	v5 =	vbroadcast v4, $0x0;
	v2 =	vbroadcast v4, $0x1  }
0xe6: {  	s28 =	simm.s32 $0x0;
	v3 =	vbroadcast v4, $0x2;
	v4 =	vbroadcast v4, $0x3;
	vm8 =	vnez.u8 v10  }
.LBB2_4:
0xe7: {  	s29 =	sshra.s32 s28, $0x2  }
0xe8: {  	v17 =	vld [tilespmem:s29+$0xA000]  }
0xe9: {  	v16 =	vld [tilespmem:s29+$0xA010]  }
0xea: {  	v15 =	vld [tilespmem:s29+$0xA020]  }
0xeb: {  	v14 =	vld [tilespmem:s29+$0xA030]  }
0xec: {  	v13 =	vld [tilespmem:s29+$0xA040]  }
0xed: {  	v12 =	vld [tilespmem:s29+$0xA050]  }
0xee: {  	v11 =	vld [tilespmem:s29+$0xA060]  }
0xef: {  	v10 =	vld [tilespmem:s29+$0xA070]  }
0xf0: {  	v33 =	vld [tilespmem:s29+$0xEE80]  }
0xf1: {  	v32 =	vld [tilespmem:s29+$0xEE90]  }
0xf2: {  	v29 =	vld [tilespmem:s29+$0xEEA0]  }
0xf3: {  	v27 =	vld [tilespmem:s29+$0xEEB0]  }
0xf4: {  	v24 =	vld [tilespmem:s29+$0xEEC0]  }
0xf5: {  	v20 =	vld [tilespmem:s29+$0xEED0]  }
0xf6: {  	v19 =	vld [tilespmem:s29+$0xEEE0]  }
0xf7: {  	v18 =	vld [tilespmem:s29+$0xEEF0]  }
0xf8: {  	v31 =	vld [tilespmem:s29+$0x13D00]  }
0xf9: {  	v30 =	vld [tilespmem:s29+$0x13D10]  }
0xfa: {  	v28 =	vld [tilespmem:s29+$0x13D20]  }
0xfb: {  	v26 =	vld [tilespmem:s29+$0x13D30]  }
0xfc: {  	v25 =	vld [tilespmem:s29+$0x13D40]  }
0xfd: {  	v22 =	vld.idx.msk [tilespmem:v17+s20+$0x0], $0xffff  }
0xfe: {  	v34 =	vld.idx.msk [tilespmem:v16+s20+$0x0], $0xffff  }
0xff: {  	v35 =	vld.idx.msk [tilespmem:v15+s20+$0x0], $0xffff  }
0x100: {  	v36 =	vld.idx.msk [tilespmem:v14+s20+$0x0], $0xffff  }
0x101: {  	v37 =	vld.idx.msk [tilespmem:v13+s20+$0x0], $0xffff  }
0x102: {  	v38 =	vld.idx.msk [tilespmem:v12+s20+$0x0], $0xffff  }
0x103: {  	v39 =	vld.idx.msk [tilespmem:v11+s20+$0x0], $0xffff  }
0x104: {  	v40 =	vld.idx.msk [tilespmem:v33+s20+$0x0], $0xffff  }
0x105: {  	v41 =	vld.idx.msk [tilespmem:v32+s20+$0x0], $0xffff  }
0x106: {  	v42 =	vld.idx.msk [tilespmem:v29+s20+$0x0], $0xffff  }
0x107: {  	v43 =	vld.idx.msk [tilespmem:v27+s20+$0x0], $0xffff  }
0x108: {  	v44 =	vld.idx.msk [tilespmem:v24+s20+$0x0], $0xffff  }
0x109: {  	v45 =	vld.idx.msk [tilespmem:v20+s20+$0x0], $0xffff  }
0x10a: {  	v46 =	vld.idx.msk [tilespmem:v19+s20+$0x0], $0xffff  }
0x10b: {  	v23 =	vld [tilespmem:s29+$0x13D50]  }
0x10c: {  	v21 =	vld [tilespmem:s29+$0x13D60];
	v22 =	vadd.f32 v40, v22;
	v34 =	vadd.f32 v41, v34  }
0x10d: {  	v35 =	vadd.f32 v42, v35;
	v36 =	vadd.f32 v43, v36  }
0x10e: {  	v55 =	vadd.f32 v44, v37;
	v56 =	vadd.f32 v45, v38;
	v41 =	vmul.f32 v22, v31  }
0x10f: {  	v57 =	vadd.f32 v46, v39;
	v42 =	vmul.f32 v34, v30;
	v43 =	vmul.f32 v35, v28  }
0x110: {  	v47 =	vld.idx.msk [tilespmem:v10+s20+$0x0], $0xffff;
	v44 =	vmul.f32 v36, v26;
	v38 =	vmul.f32 v55, v25  }
0x111: {  	v54 =	vld.idx.msk [tilespmem:v18+s20+$0x0], $0xffff;
	v39 =	vmul.f32 v56, v23;
	v45 =	vmul.f32 v57, v21  }
0x112: {  	v58 =	vmul.f32 v41, v9;
	v60 =	vmul.f32 v42, v9  }
0x113: {  	v61 =	vmul.f32 v43, v9;
	v63 =	vmul.f32 v44, v9  }
0x114: {  	v46 =	vmul.f32 v38, v9;
	v48 =	vmul.f32 v39, v9  }
0x115: {  	v49 =	vmul.f32 v45, v9;
	v52 =	vmul.f32 v41, v8  }
0x116: {  	v59 =	vadd.f32 v54, v47;
	v54 =	vmul.f32 v42, v8;
	v55 =	vmul.f32 v43, v8  }
0x117: {  	v57 =	vmul.f32 v44, v8;
	v37 =	vmul.f32 v41, v7  }
0x118: {  	v41 =	vmul.f32 v41, v6;
	v34 =	vmul.f32 $1.442695020e+00, v58  }
0x119: {  	v22 =	vld [tilespmem:s29+$0x13D70];
	v62 =	vmul.f32 $1.442695020e+00, v60;
	v35 =	vmul.f32 $1.442695020e+00, v61  }
0x11a: {  	v47 =	vmul.f32 $1.442695020e+00, v63;
	v50 =	vmul.f32 $1.442695020e+00, v48  }
0x11b: {  	v56 =	vmul.f32 $1.442695020e+00, v54;
	v58 =	vmul.f32 v38, v8  }
0x11c: {  	v60 =	vmul.f32 v39, v8;
	v61 =	vmul.f32 v45, v8  }
0x11d: {  	v54 =	vmul.f32 v43, v7;
	v41 =	vmul.f32 $1.442695020e+00, v41  }
0x11e: {  	v43 =	vmul.f32 v43, v6;
	v40 =	vmul.f32 v59, v22  }
0x11f: {  	v59 =	vmul.f32 $1.442695020e+00, v57;
	(erf) = vpow2.f32 v34  }
0x120: {  	v34 =	vmul.f32 $1.442695020e+00, v46;
	(erf) = vpow2.f32 v62  }
0x121: {  	v51 =	vmul.f32 v40, v9;
	v62 =	vmul.f32 $1.442695020e+00, v60  }
0x122: {  	v63 =	vmul.f32 v40, v8;
	v60 =	vmul.f32 v45, v7  }
0x123: {  	(erf) = vpow2.f32 v35;
	v35 =	vmul.f32 $1.442695020e+00, v49  }
0x124: {  	(erf) = vpow2.f32 v47;
	v53 =	vmul.f32 $1.442695020e+00, v51  }
0x125: {  	v51 =	vmul.f32 v44, v7;
	(erf) = vpow2.f32 v34  }
0x126: {  	v34 =	vmul.f32 $1.442695020e+00, v52;
	v52 =	vmul.f32 $1.442695020e+00, v63  }
0x127: {  	(erf) = vpow2.f32 v50;
	v57 =	vmul.f32 $1.442695020e+00, v51  }
0x128: {  	(erf) = vpow2.f32 v35;
	v35 =	vmul.f32 $1.442695020e+00, v55  }
0x129: {  	(erf) = vpow2.f32 v53;
	v53 =	vmul.f32 v42, v7  }
0x12a: {  	v42 =	vmul.f32 v42, v6;
	(erf) = vpow2.f32 v34  }
0x12b: {  	v34 =	vmul.f32 $1.442695020e+00, v58;
	(erf) = vpow2.f32 v56  }
0x12c: {  	v55 =	vmul.f32 $1.442695020e+00, v53;
	v56 =	vmul.f32 $1.442695020e+00, v54  }
0x12d: {  	v54 =	vmul.f32 v40, v7;
	v63 =	vmul.f32 $1.442695020e+00, v42  }
0x12e: {  	v46 =	vpop (erf);
	v40 =	vmul.f32 v40, v6;
	(erf) = vpow2.f32 v35  }
0x12f: {  	v35 =	vmul.f32 $1.442695020e+00, v61;
	v46 =	vmul.f32 v46, v5  }
0x130: {  	(erf) = vpow2.f32 v59;
	v59 =	vmul.f32 v39, v7  }
0x131: {  	v47 =	vpop (erf);
	v39 =	vmul.f32 v39, v6;
	v40 =	vmul.f32 $1.442695020e+00, v40  }
0x132: {  	v47 =	vmul.f32 v47, v5;
	(erf) = vpow2.f32 v34  }
0x133: {  	v34 =	vmul.f32 $1.442695020e+00, v37;
	v37 =	vmul.f32 $1.442695020e+00, v60  }
0x134: {  	v48 =	vpop (erf);
	(erf) = vpow2.f32 v62;
	v61 =	vmul.f32 $1.442695020e+00, v59  }
0x135: {  	v49 =	vpop (erf);
	v62 =	vmul.f32 $1.442695020e+00, v54;
	v59 =	vmul.f32 v44, v6  }
0x136: {  	v50 =	vpop (erf);
	v49 =	vmul.f32 v49, v5;
	(erf) = vpow2.f32 v35  }
0x137: {  	v36 =	vpop (erf);
	(erf) = vpow2.f32 v52;
	v52 =	vmul.f32 v38, v7  }
0x138: {  	v35 =	vpop (erf);
	v38 =	vmul.f32 v38, v6;
	v60 =	vmul.f32 $1.442695020e+00, v59  }
0x139: {  	v36 =	vmul.f32 v36, v5;
	(erf) = vpow2.f32 v34;
	v34 =	vpop (erf)  }
0x13a: {  	v35 =	vmul.f32 v35, v5;
	(erf) = vpow2.f32 v55;
	v53 =	vpop (erf)  }
0x13b: {  	v33 =	vld.idx.msk [tilespmem:v33+s21+$0x0], $0xffff;
	v58 =	vmul.f32 $1.442695020e+00, v52;
	(erf) = vpow2.f32 v56;
	v52 =	vpop (erf)  }
0x13c: {  	v59 =	vld.idx.msk [tilespmem:v17+s21+$0x0], $0xffff;
	v38 =	vmul.f32 $1.442695020e+00, v38;
	(erf) = vpow2.f32 v57;
	v55 =	vpop (erf)  }
0x13d: {  	v34 =	vmul.f32 v34, v5;
	(erf) = vpow2.f32 v58;
	v51 =	vpop (erf)  }
0x13e: {  	v53 =	vmul.f32 v53, v2;
	(erf) = vpow2.f32 v61;
	v54 =	vpop (erf)  }
0x13f: {  	v58 =	vmul.f32 $1.442695020e+00, v43;
	(erf) = vpow2.f32 v37;
	v56 =	vpop (erf)  }
0x140: {  	v52 =	vmul.f32 v52, v2;
	(erf) = vpow2.f32 v62;
	v57 =	vpop (erf)  }
0x141: {  	v33 =	vmul.f32 v33, v59;
	(erf) = vpow2.f32 v41;
	v37 =	vpop (erf)  }
0x142: {  	v61 =	vmul.f32 v45, v6;
	(erf) = vpow2.f32 v63;
	v44 =	vpop (erf)  }
0x143: {  	v55 =	vmul.f32 v55, v2;
	(erf) = vpow2.f32 v58;
	v41 =	vpop (erf)  }
0x144: {  	v51 =	vmul.f32 v51, v2;
	(erf) = vpow2.f32 v60;
	v43 =	vpop (erf)  }
0x145: {  	v42 =	vmul.f32 $1.442695020e+00, v61;
	v37 =	vmul.f32 v37, v2;
	v58 =	vpop (erf)  }
0x146: {  	(erf) = vpow2.f32 v38;
	v38 =	vmul.f32 $1.442695020e+00, v39;
	v45 =	vpop (erf)  }
0x147: {  	v32 =	vld.idx.msk [tilespmem:v32+s21+$0x0], $0xffff;
	v44 =	vmul.f32 v44, v3;
	v41 =	vmul.f32 v41, v3;
	v39 =	vpop (erf)  }
0x148: {  	v43 =	vmul.f32 v43, v3;
	v60 =	vpop (erf);
	(erf) = vpow2.f32 v38;
	v38 =	vld.idx.msk [tilespmem:v16+s21+$0x0], $0xffff  }
0x149: {  	v45 =	vmul.f32 v45, v3;
	v61 =	vpop (erf);
	(erf) = vpow2.f32 v42  }
0x14a: {  	v29 =	vld.idx.msk [tilespmem:v29+s21+$0x0], $0xffff;
	v39 =	vmul.f32 v39, v3;
	v62 =	vpop (erf);
	(erf) = vpow2.f32 v40  }
0x14b: {  	v27 =	vld.idx.msk [tilespmem:v27+s21+$0x0], $0xffff;
	v46 =	vadd.f32 v53, v46;
	v42 =	vmul.f32 v62, v4;
	v62 =	vpop (erf);
	(erf) = vrcp.f32 v31  }
0x14c: {  	v19 =	vld.idx.msk [tilespmem:v19+s21+$0x0], $0xffff;
	v53 =	vmul.f32 v62, v4;
	v62 =	vadd.f32 v52, v47;
	(erf) = vrcp.f32 v30;
	v52 =	vpop (erf)  }
0x14d: {  	v30 =	vld.idx.msk [tilespmem:v15+s21+$0x0], $0xffff;
	v63 =	vadd.f32 v42, v44;
	v32 =	vmul.f32 v32, v38;
	v59 =	vpop (erf);
	(erf) = vrcp.f32 v28  }
0x14e: {  	v44 =	vld [tilespmem:s29+$0x18B80];
	v41 =	vadd.f32 v53, v41;
	v53 =	vmul.f32 v48, v5;
	v38 =	vmul.f32 v59, v4  }
0x14f: {  	v48 =	vld.idx.msk [tilespmem:v14+s21+$0x0], $0xffff;
	v59 =	vmul.f32 v54, v2;
	v54 =	vmul.f32 v57, v2;
	v40 =	vadd.f32 v63, v46  }
0x150: {  	v57 =	vld.idx.msk [tilespmem:v11+s21+$0x0], $0xffff;
	v63 =	vadd.f32 v41, v62;
	v41 =	vmul.f32 v52, v4;
	v52 =	vmul.f32 v58, v3  }
0x151: {  	v31 =	vld [tilespmem:s29+$0x18B90];
	v42 =	vpop (erf);
	v62 =	vadd.f32 v55, v53;
	v58 =	vmul.f32 v50, v5;
	v33 =	vmul.f32 v33, v40  }
0x152: {  	v20 =	vld.idx.msk [tilespmem:v20+s21+$0x0], $0xffff;
	v42 =	vmul.f32 v42, v4;
	v32 =	vmul.f32 v32, v63;
	v41 =	vadd.f32 v41, v43  }
0x153: {  	v29 =	vmul.f32 v29, v30;
	v63 =	vld [tilespmem:s29+$0x18BA0];
	v38 =	vadd.f32 v38, v52;
	v33 =	vmul.f32 v33, v44  }
0x154: {  	v52 =	vld.idx.msk [tilespmem:v12+s21+$0x0], $0xffff;
	v27 =	vmul.f32 v27, v48;
	v48 =	vmul.f32 v56, v2;
	v40 =	vadd.f32 v41, v62  }
0x155: {  	v35 =	vadd.f32 v54, v35;
	v56 =	vmul.f32 v60, v3;
	v19 =	vmul.f32 v19, v57  }
0x156: {  	v24 =	vld.idx.msk [tilespmem:v24+s21+$0x0], $0xffff;
	v31 =	vmul.f32 v32, v31;
	v41 =	vadd.f32 v51, v49;
	v32 =	vpop (erf);
	v29 =	vmul.f32 v29, v40  }
0x157: {  	v18 =	vld.idx.msk [tilespmem:v18+s21+$0x0], $0xffff;
	v40 =	vadd.f32 v59, v58;
	v59 =	vmul.f32 v61, v3;
	v30 =	vpop (erf);
	(erf) = vrcp.f32 v26  }
0x158: {  	v38 =	vadd.f32 v38, v41;
	v32 =	vmul.f32 v32, v4;
	v29 =	vmul.f32 v29, v63;
	v63 =	vld.idx.msk [tilespmem:v13+s21+$0x0], $0xffff  }
0x159: {  	v42 =	vadd.f32 v42, v45;
	v62 =	vld [tilespmem:s29+$0x18BB0];
	v20 =	vmul.f32 v20, v52;
	v28 =	vpop (erf);
	(erf) = vrcp.f32 v25  }
0x15a: {  	v50 =	vld [tilespmem:s29+$0x18BC0];
	v36 =	vadd.f32 v48, v36;
	v27 =	vmul.f32 v27, v38;
	v30 =	vmul.f32 v30, v4;
	v53 =	vpop (erf)  }
0x15b: {  	v43 =	vld [tilespmem:s29+$0xA001];
	v51 =	vadd.f32 v32, v39;
	(erf) = vrcp.f32 v23;
	v33 =	vmul.f32 v33, v53  }
0x15c: {  	v58 =	vld.idx.msk [tilespmem:v10+s21+$0x0], $0xffff;
	v28 =	vmul.f32 v28, v4;
	v55 =	vpop (erf);
	v53 =	vadd.f32 v42, v40;
	(erf) = vrcp.f32 v21  }
0x15d: {  	v30 =	vadd.f32 v30, v56;
	v31 =	vmul.f32 v31, v55;
	v49 =	vpop (erf);
	(xrf2) =	vadd.scan.msk.f32 $0xffff, v33;
	v24 =	vmul.f32 v24, v63  }
0x15e: {  	v27 =	vmul.f32 v27, v62;
	v55 =	vld [tilespmem:s29+$0x18BD0];
	v26 =	vmul.f32 v29, v49;
	v29 =	vadd.f32 v51, v36  }
0x15f: {  	v34 =	vadd.f32 v37, v34;
	v61 =	vld [tilespmem:s29+$0xA011];
	(erf) = vrcp.f32 v22;
	(xrf2) =	vadd.scan.msk.f32 $0xffff, v31;
	v24 =	vmul.f32 v24, v53  }
0x160: {  	v32 =	vld [tilespmem:s29+$0x18BE0];
	v60 =	vadd.f32 v28, v59;
	v62 =	vadd.f32 v30, v35;
	v20 =	vmul.f32 v20, v29;
	v63 =	vpop (erf)  }
0x161: {  	v37 =	vld [tilespmem:s29+$0xA021];
	vm0 =	vne.s32 v17, v43;
	(xrf2) =	vadd.scan.msk.f32 $0xffff, v26;
	v24 =	vmul.f32 v24, v50;
	v25 =	vmul.f32 v27, v63  }
0x162: {  	v38 =	vld [tilespmem:s29+$0x18BF0];
	v18 =	vmul.f32 v18, v58;
	v23 =	vadd.f32 v60, v34;
	v19 =	vmul.f32 v19, v62;
	v35 =	vpop (erf)  }
0x163: {  	vm1 =	vmor vm0, vm7;
	v40 =	vld [tilespmem:s29+$0xA031];
	v20 =	vmul.f32 v20, v55;
	v21 =	vmul.f32 v24, v35;
	(xrf2) =	vadd.scan.msk.f32 $0xffff, v25  }
0x164: {  	vm0 =	vmand vm0, vm8;
	vm2 =	vne.s32 v16, v61;
	v18 =	vmul.f32 v18, v23;
	v39 =	vpop (erf)  }
0x165: {  	v41 =	vld [tilespmem:s29+$0xA041];
	vm3 =	vmor vm2, vm7;
	v19 =	vmul.f32 v19, v32;
	v20 =	vmul.f32 v20, v39;
	(xrf2) =	vadd.scan.msk.f32 $0xffff, v21  }
0x166: {  	vm4 =	vne.s32 v15, v37;
	v47 =	vld [tilespmem:s29+$0xA071];
	vm2 =	vmand vm2, vm8;
	v42 =	vpop (erf)  }
0x167: {  	vm5 =	vmor vm4, vm7;
	v44 =	vld [tilespmem:s29+$0xA051];
	v18 =	vmul.f32 v18, v38;
	v19 =	vmul.f32 v19, v42;
	v46, _, _ =	vpop (xrf2);
	(xrf2) =	vadd.scan.msk.f32 $0xffff, v20  }
0x168: {  	vm4 =	vmand vm4, vm8;
	v45 =	vld [tilespmem:s29+$0xA061];
	vm6 =	vne.s32 v14, v40;
	v48 =	vpop (erf);
	v49 =	vsub.f32 $0.0e+00, v46  }
0x169: {  	vm13 =	vmor vm6, vm7;
	v50 =	vmul.f32 v18, v48;
	[tilespmem:v17+s22+$0x0] =	vst.idx.add.f32.msk vm1, v46;
	(xrf2) =	vadd.scan.msk.f32 $0xffff, v19;
	v51, _, _ =	vpop (xrf2)  }
0x16a: {  	vm14 =	vne.s32 v13, v41;
	vm6 =	vmand vm6, vm8;
	v52 =	vsub.f32 $0.0e+00, v51;
	[tilespmem:v43+s22+$0x0] =	vst.idx.add.f32.msk vm0, v49  }
0x16b: {  	vm15 =	vmor vm14, vm7;
	(xrf2) =	vadd.scan.msk.f32 $0xffff, v50;
	v53, _, _ =	vpop (xrf2);
	[tilespmem:v16+s22+$0x0] =	vst.idx.add.f32.msk vm3, v51  }
0x16c: {  	vm12 =	vne.s32 v12, v44;
	vm0 =	vmand vm14, vm8;
	v54 =	vsub.f32 $0.0e+00, v53;
	[tilespmem:v61+s22+$0x0] =	vst.idx.add.f32.msk vm2, v52  }
0x16d: {  	[tilespmem:v15+s22+$0x0] =	vst.idx.add.f32.msk vm5, v53;
	vm5 =	vmor vm12, vm7;
	v55, _, _ =	vpop (xrf2)  }
0x16e: {  	vm2 =	vmand vm12, vm8;
	[tilespmem:v37+s22+$0x0] =	vst.idx.add.f32.msk vm4, v54;
	vm4 =	vne.s32 v11, v45;
	v56 =	vsub.f32 $0.0e+00, v55  }
0x16f: {  	[tilespmem:v14+s22+$0x0] =	vst.idx.add.f32.msk vm13, v55;
	vm13 =	vmor vm4, vm7;
	v57, _, _ =	vpop (xrf2)  }
0x170: {  	vm4 =	vmand vm4, vm8;
	[tilespmem:v40+s22+$0x0] =	vst.idx.add.f32.msk vm6, v56;
	vm6 =	vne.s32 v10, v47;
	v58 =	vsub.f32 $0.0e+00, v57  }
0x171: {  	v59, _, _ =	vpop (xrf2);
	[tilespmem:v13+s22+$0x0] =	vst.idx.add.f32.msk vm15, v57;
	vm14 =	vmor vm6, vm7  }
0x172: {  	vm15 =	vmand vm6, vm8;
	v60 =	vsub.f32 $0.0e+00, v59;
	[tilespmem:v41+s22+$0x0] =	vst.idx.add.f32.msk vm0, v58  }
0x173: {  	p0 =	sne.s32 s28, $0x13600;
	v61, _, _ =	vpop (xrf2);
	[tilespmem:v12+s22+$0x0] =	vst.idx.add.f32.msk vm5, v59  }
.Ltmp1:
0x174: {  	v62 =	vsub.f32 $0.0e+00, v61;
	[tilespmem:v44+s22+$0x0] =	vst.idx.add.f32.msk vm2, v60;
	(pc) =	sbr.rel @p0 .LBB2_4-.Ltmp1, $4  }
0x175: {  	[tilespmem:v11+s22+$0x0] =	vst.idx.add.f32.msk vm13, v61;
	v11, _, _ =	vpop (xrf2)  }
0x176: {  	[tilespmem:v45+s22+$0x0] =	vst.idx.add.f32.msk vm4, v62;
	v63 =	vsub.f32 $0.0e+00, v11  }
0x177: {  	[tilespmem:v10+s22+$0x0] =	vst.idx.add.f32.msk vm14, v11  }
0x178: {  	s28 =	sadd.s32 $0x200, s28;
	[tilespmem:v47+s22+$0x0] =	vst.idx.add.f32.msk vm15, v63  }
0x179: {  	v10 =	vld [tilespmem:$0xEE00]  }
0x17a: {  	v11 =	vld [tilespmem:$0xEE10]  }
0x17b: {  	v12 =	vld [tilespmem:$0x13C80]  }
0x17c: {  	v13 =	vld [tilespmem:$0x13C90];
	_ =	sdelay $0x4  }
0x17d: {  	v14 =	vld.idx.msk [tilespmem:v10+s20+$0x0], $0xffff  }
0x17e: {  	v15 =	vld.idx.msk [tilespmem:v11+s20+$0x0], $0xffff  }
0x17f: {  	v16 =	vld.idx.msk [tilespmem:v12+s20+$0x0], $0xffff  }
0x180: {  	v17 =	vld.idx.msk [tilespmem:v13+s20+$0x0], $0xffff  }
0x181: {  	v18 =	vld [tilespmem:$0x18B00]  }
0x182: {  	v19 =	vld [tilespmem:$0x18B10];
	_ =	sdelay $0x2  }
0x183: {  	v14 =	vadd.f32 v16, v14;
	v15 =	vadd.f32 v17, v15;
	_ =	sdelay $0x1  }
0x184: {  	v14 =	vmul.f32 v14, v18;
	v15 =	vmul.f32 v15, v19;
	_ =	sdelay $0x1  }
0x185: {  	v33 =	vmul.f32 v14, v9;
	v34 =	vmul.f32 v15, v9  }
0x186: {  	v35 =	vmul.f32 v14, v8;
	v37 =	vmul.f32 v15, v8  }
0x187: {  	v38 =	vmul.f32 v14, v7;
	v16 =	vmul.f32 $1.442695020e+00, v33  }
0x188: {  	v39 =	vmul.f32 v15, v7;
	v14 =	vmul.f32 v14, v6  }
0x189: {  	v9 =	vmul.f32 $1.442695020e+00, v34;
	(erf) = vpow2.f32 v16  }
0x18a: {  	v41 =	vmul.f32 v15, v6;
	v36 =	vmul.f32 $1.442695020e+00, v35  }
0x18b: {  	v8 =	vmul.f32 $1.442695020e+00, v37;
	(erf) = vpow2.f32 v9  }
0x18c: {  	v9 =	vmul.f32 $1.442695020e+00, v38;
	(erf) = vpow2.f32 v36  }
0x18d: {  	v7 =	vmul.f32 $1.442695020e+00, v39;
	(erf) = vpow2.f32 v8  }
0x18e: {  	v40 =	vmul.f32 $1.442695020e+00, v14;
	(erf) = vpow2.f32 v9  }
0x18f: {  	(erf) = vpow2.f32 v7  }
0x190: {  	v6 =	vmul.f32 $1.442695020e+00, v41;
	(erf) = vpow2.f32 v40;
	_ =	sdelay $0x1  }
0x191: {  	v42 =	vpop (erf);
	(erf) = vpow2.f32 v6;
	_ =	sdelay $0x1  }
0x192: {  	v43 =	vpop (erf)  }
0x193: {  	v44 =	vpop (erf)  }
0x194: {  	v45 =	vpop (erf)  }
0x195: {  	v46 =	vpop (erf)  }
0x196: {  	v48 =	vld.idx.msk [tilespmem:v10+s21+$0x0], $0xffff;
	v7 =	vmul.f32 v42, v5;
	(erf) = vrcp.f32 v18;
	v47 =	vpop (erf)  }
0x197: {  	v12 =	vld.idx.msk [tilespmem:v12+s21+$0x0], $0xffff;
	v50 =	vmul.f32 v43, v5;
	v8 =	vmul.f32 v44, v2;
	v49 =	vpop (erf)  }
0x198: {  	v20 =	vld.idx.msk [tilespmem:v11+s21+$0x0], $0xffff;
	v14 =	vmul.f32 v46, v3;
	v17 =	vmul.f32 v49, v4  }
0x199: {  	v51 =	vld.idx.msk [tilespmem:v13+s21+$0x0], $0xffff;
	v2 =	vmul.f32 v45, v2;
	v7 =	vadd.f32 v8, v7;
	v3 =	vmul.f32 v47, v3;
	v52 =	vpop (erf)  }
0x19a: {  	v53 =	vadd.f32 v17, v14;
	(erf) = vrcp.f32 v19;
	v54 =	vmul.f32 v52, v4  }
0x19b: {  	v55 =	vld [tilespmem:$0x1D980];
	v2 =	vadd.f32 v2, v50  }
0x19c: {  	v56 =	vmul.f32 v12, v48;
	v7 =	vadd.f32 v53, v7;
	v3 =	vadd.f32 v54, v3  }
0x19d: {  	v57 =	vld [tilespmem:$0x1D990]  }
0x19e: {  	v58 =	vmul.f32 v51, v20;
	v2 =	vadd.f32 v3, v2;
	v3 =	vmul.f32 v7, v56;
	_ =	sdelay $0x1  }
0x19f: {  	v3 =	vmul.f32 v3, v55;
	v2 =	vmul.f32 v2, v58  }
0x1a0: {  	v59 =	vpop (erf)  }
0x1a1: {  	v3 =	vmul.f32 v3, v59;
	v2 =	vmul.f32 v2, v57  }
0x1a2: {  	v60 =	vpop (erf)  }
0x1a3: {  	v61 =	vld [tilespmem:$0xEE01];
	v2 =	vmul.f32 v2, v60;
	(xrf2) =	vadd.scan.msk.f32 $0xffff, v3;
	_ =	sdelay $0x1  }
0x1a4: {  	v3 =	vld [tilespmem:$0xEE11];
	(xrf2) =	vadd.scan.msk.f32 $0xffff, v2;
	_ =	sdelay $0x2  }
0x1a5: {  	vm0 =	vne.s32 v10, v61  }
0x1a6: {  	vm1 =	vmor vm0, vm7  }
0x1a7: {  	vm0 =	vmand vm0, vm8;
	vm2 =	vne.s32 v11, v3  }
0x1a8: {  	vm3 =	vmor vm2, vm7  }
0x1a9: {  	vm2 =	vmand vm2, vm8  }
0x1aa: {  	v2, _, _ =	vpop (xrf2)  }
0x1ab: {  	v62 =	vsub.f32 $0.0e+00, v2  }
0x1ac: {  	[tilespmem:v10+s22+$0x0] =	vst.idx.add.f32.msk vm1, v2;
	v63, _, _ =	vpop (xrf2)  }
0x1ad: {  	[tilespmem:v61+s22+$0x0] =	vst.idx.add.f32.msk vm0, v62;
	v2 =	vsub.f32 $0.0e+00, v63  }
0x1ae: {  	[tilespmem:v11+s22+$0x0] =	vst.idx.add.f32.msk vm3, v63  }
0x1af: {  	[tilespmem:v3+s22+$0x0] =	vst.idx.add.f32.msk vm2, v2  }
0x1b0: {  	s26 =	sadd.s32 $0x1, s26;
	_ =	strace $0x9000004B  }
0x1b1: {  	p0 =	sne.s32 s26, s11;
	_ =	strace $0x8000004C  }
0x1b2: {  	[hbm4b:s10+s23] =	stream.strided.scatter [tilespmem:s22], [sflag:$0x3], $0x2800, s24, s23, $0x200038;
	[tilespmem:$0x1DB00] =	vst v63  }
.Ltmp2:
0x1b3: {  	_ = 	snop;
	(pc) =	sbr.rel @p0 .LBB2_1-.Ltmp2, $4  }
0x1b4: {  	_ =	swait.ge [sflag:s25], $0x2800  }
0x1b5: {  	[sflag:s25] =	ssyncset.done $0x0  }
0x1b6: {  	[sflag:s25] =	ssyncadd.s32 $0xFFFFD800  }
0x1b7: {  	_ =	strace $0x9000004C  }
0x1b8: {  	_ =	sfence.sel $0x180000  }
0x1b9: {  	[bflag:$0x0] =	sbarrier.arrive $0xFFFF  }
0x1ba: {  	_ =	strace $0x90000047  }
0x1bb: {  	[bflag:$0x2] =	sbarrier.arrive $0xFFFF  }
0x1bc: {  	p0 =	sne.s32 s1, $0x0;
	s0 =	rddreg [dreg:$0x7]  }
0x1bd: {  	s0 =	sadd.s32 @!p0 $0x100000, s0  }
0x1be: {  	[sflag:s0] =	ssyncadd.tile.s32 @!p0 $0x1;
	_ =	shalt  }
.Lfunc_end2:
_tile_overlayer_lowered:
.L_overlay_start_2:
0x1bf: {  	(tag) =	ssettag $0x2  }
0x1c0: {  	s0 =	rddreg [dreg:$0x0];
	s2 =	stileid.u32  }
0x1c1: {  	s1 =	rddreg [dreg:$0x1];
	p0 =	sne.s32 s2, $0x0  }
0x1c2: {  	s3 =	rddreg [dreg:$0x2];
	[bflag:$0x3] =	sbarrier.arrive $0xFFFF;
	s2 =	simm.s32 @!p0 $0x1C03  }
0x1c3: {  	[timem:s3], [sflag:s2] =	dma.local @!p0 [hbm:s0], s1  }
0x1c4: {  	s0 =	simm.s32 @!p0 $0x3  }
0x1c5: {  	_ =	swait.ge @!p0 [sflag:s0], s1  }
0x1c6: {  	s1 =	ssub.s32 @!p0 $0x0, s1;
	[sflag:s0] =	ssyncset.done @!p0 $0x0  }
0x1c7: {  	[sflag:s0] =	ssyncadd.s32 @!p0 s1  }
0x1c8: {  	[bflag:$0x3] =	sbarrier.arrive $0xFFFF  }
0x1c9: {  	_ =	shalt  }

</sc_bundles>
